<compile_context>
chip_gen: v7x
topology: tpu7x:2x2x1
jax: 0.10.2.dev20260603
libtpu: 0.0.44.dev20260713+nightly
codegen_flags: <defaults>
</compile_context>

<pallas_src>
import functools

import jax
import jax.numpy as jnp
from jax import lax
from jax.experimental import pallas as pl
from jax.experimental.pallas import tpu as pltpu
from jax.experimental.pallas import tpu_sc as plsc

HIDDEN = 64
NC = 2
NS = 16
NW = NC * NS

CH = 128
K = 5


@functools.cache
def _make_sc_lookup(n_total):
    per_w = n_total // NW
    nch = per_w // CH
    ngrp = nch // K
    npair = ngrp // 2
    assert ngrp % 2 == 0 and nch == ngrp * K
    mesh = plsc.VectorSubcoreMesh(core_axis_name="c", subcore_axis_name="s")

    @functools.partial(
        pl.kernel,
        mesh=mesh,
        out_type=jax.ShapeDtypeStruct((n_total, HIDDEN), jnp.float32),
        scratch_types=[
            pltpu.VMEM((nch, CH), jnp.int32),
            pltpu.VMEM((2 * K, CH, HIDDEN), jnp.float32),
            pltpu.SemaphoreType.DMA,
            pltpu.SemaphoreType.DMA,
            pltpu.SemaphoreType.DMA,
            pltpu.SemaphoreType.DMA,
        ],
        compiler_params=pltpu.CompilerParams(use_tc_tiling_on_sc=False),
    )
    def lookup(idx_hbm, table_hbm, out_hbm, idx_v, rows_v,
               gsem_a, gsem_b, osem_a, osem_b):
        wid = lax.axis_index("s") * NC + lax.axis_index("c")
        base = wid * per_w
        pltpu.sync_copy(idx_hbm.at[wid], idx_v)

        bufs_a = list(range(K))
        bufs_b = list(range(K, 2 * K))

        def fire_gathers(g, bufs, sem):
            return [
                pltpu.async_copy(
                    table_hbm.at[idx_v.at[g * K + j]], rows_v.at[bufs[j]], sem)
                for j in range(K)
            ]

        def fire_writes(g, bufs, sem):
            for j in range(K):
                pltpu.async_copy(
                    rows_v.at[bufs[j]],
                    out_hbm.at[pl.ds(base + (g * K + j) * CH, CH)], sem)

        def drain_writes(sem):
            for _ in range(K):
                pltpu.make_async_copy(
                    rows_v.at[0], out_hbm.at[pl.ds(base, CH)], sem).wait()

        def half(g, bufs, gsem, osem):
            hs = fire_gathers(g, bufs, gsem)
            return hs, (lambda: ([h.wait() for h in hs],
                                 fire_writes(g, bufs, osem)))

        def pair(gp, first):
            g_a = 2 * gp
            if not first:
                drain_writes(osem_a)
            _, finish_a = half(g_a, bufs_a, gsem_a, osem_a)
            if not first:
                drain_writes(osem_b)
            _, finish_b = half(g_a + 1, bufs_b, gsem_b, osem_b)
            finish_a()
            finish_b()

        pair(0, True)
        lax.fori_loop(1, npair, lambda gp, c: (pair(gp, False), c)[1], 0)
        drain_writes(osem_a)
        drain_writes(osem_b)

    return lookup


def kernel(input_ids, table):
    batch, hist = input_ids.shape
    n_total = batch * hist
    idx = input_ids.astype(jnp.int32).reshape(NW, n_total // (NW * CH), CH)
    out = _make_sc_lookup(n_total)(idx, table)
    return out.reshape(batch, hist, HIDDEN)

# --- scband reference (transcript-rebuilt; emitter-appended) ---
"""Pipeline reference for scband-dart2-vec-embeddings-5059471474877 (READ-ONLY COPY).

The authoritative reference and input builder live on the scoring server;
editing this copy changes nothing except your own understanding.
"""

import jax, jax.numpy as jnp
import numpy as np

VOCAB = 1000000
HIDDEN = 64
BATCH = 16384
HIST = 50

def setup_inputs(seed: int = 0) -> dict:
    key = jax.random.key(seed)
    k_ids, k_tab = jax.random.split(key)
    input_ids = jax.random.randint(k_ids, (BATCH, HIST), 0, VOCAB, dtype=jnp.int64)
    table = jax.random.normal(k_tab, (VOCAB, HIDDEN), dtype=jnp.float32) * 0.02
    # emulate padding_idx=0: that row is zero and receives no gradient in torch
    table = table.at[0].set(0.0)
    return {"input_ids": input_ids, "table": table}

def reference(input_ids, table):
    # Dart2VecEmbeddings.forward with inputs_embeds=None: plain embedding lookup
    embeddings = jnp.take(table, input_ids, axis=0)
    return embeddings

if __name__ == "__main__":
    import jax
    _d = setup_inputs()
    print(jax.jit(kernel)(*tuple(_d.values())))

</pallas_src>

<mosaic_0001>
#map = affine_map<(d0, d1) -> (0, 0, 0)>
#map1 = affine_map<(d0, d1) -> (0, 0)>
module attributes {stable_mosaic.version = 14 : i64} {
  func.func @lookup(%arg0: i32, %arg1: i32, %arg2: memref<32x200x128xi32, #tpu.memory_space<hbm>>, %arg3: memref<1000000x64xf32, #tpu.memory_space<hbm>>, %arg4: memref<819200x64xf32, #tpu.memory_space<hbm>>, %arg5: memref<200x128xi32, #tpu.memory_space<vmem>>, %arg6: memref<10x128x64xf32, #tpu.memory_space<vmem>>, %arg7: memref<!tpu.dma_semaphore, #tpu.memory_space<semaphore_mem>>, %arg8: memref<!tpu.dma_semaphore, #tpu.memory_space<semaphore_mem>>, %arg9: memref<!tpu.dma_semaphore, #tpu.memory_space<semaphore_mem>>, %arg10: memref<!tpu.dma_semaphore, #tpu.memory_space<semaphore_mem>>) attributes {dimension_semantics = [#tpu.dimension_semantics<core_parallel>, #tpu.dimension_semantics<subcore_parallel>], iteration_bounds = array<i64: 2, 16>, scalar_prefetch = 0 : i64, scratch_operands = 6 : i64, tpu.core_type = #tpu.core_type<sc_vector_subcore>, window_params = [{transform_indices = #map}, {transform_indices = #map1}, {transform_indices = #map1}]} {
    %mul3A = arith.constant 2 : i32
    %mul3A_0 = arith.muli %arg1, %mul3A : i32
    %add3A = arith.addi %mul3A_0, %arg0 : i32
    %mul3A_1 = arith.constant 25600 : i32
    %mul3A_2 = arith.muli %add3A, %mul3A_1 : i32
    "tpu.region"() ({
      %run_scoped3A = tpu.sem_alloc : memref<!tpu.dma_semaphore, #tpu.memory_space<semaphore_mem>>
      %dma_start3A_526 = arith.constant 0 : i32
      %dma_start3A_527 = arith.constant 0 : i32
      %dma_start3A_528 = tpu.memref_slice %arg2[%add3A, %dma_start3A_526, %dma_start3A_527] : memref<32x200x128xi32, #tpu.memory_space<hbm>> -> memref<1x200x128xi32, #tpu.memory_space<hbm>>
      %dma_start3A_529 = tpu.memref_squeeze %dma_start3A_528 : memref<1x200x128xi32, #tpu.memory_space<hbm>> -> memref<200x128xi32, #tpu.memory_space<hbm>>
      %dma_start3A_530 = arith.constant 0 : i32
      %dma_start3A_531 = arith.constant 0 : i32
      %dma_start3A_532 = tpu.memref_slice %arg2[%add3A, %dma_start3A_530, %dma_start3A_531] : memref<32x200x128xi32, #tpu.memory_space<hbm>> -> memref<1x200x128xi32, #tpu.memory_space<hbm>>
      %dma_start3A_533 = tpu.memref_squeeze %dma_start3A_532 : memref<1x200x128xi32, #tpu.memory_space<hbm>> -> memref<200x128xi32, #tpu.memory_space<hbm>>
      tpu.enqueue_dma source(%dma_start3A_533 : memref<200x128xi32, #tpu.memory_space<hbm>>) target(%arg5 : memref<200x128xi32, #tpu.memory_space<vmem>>) target_semaphore(%run_scoped3A : memref<!tpu.dma_semaphore, #tpu.memory_space<semaphore_mem>>)
      %dma_wait3A_534 = arith.constant 0 : i32
      %dma_wait3A_535 = arith.constant 0 : i32
      %dma_wait3A_536 = tpu.memref_slice %arg2[%add3A, %dma_wait3A_534, %dma_wait3A_535] : memref<32x200x128xi32, #tpu.memory_space<hbm>> -> memref<1x200x128xi32, #tpu.memory_space<hbm>>
      %dma_wait3A_537 = tpu.memref_squeeze %dma_wait3A_536 : memref<1x200x128xi32, #tpu.memory_space<hbm>> -> memref<200x128xi32, #tpu.memory_space<hbm>>
      %dma_wait3A_538 = arith.constant 0 : i32
      %dma_wait3A_539 = arith.constant 0 : i32
      %dma_wait3A_540 = tpu.memref_slice %arg2[%add3A, %dma_wait3A_538, %dma_wait3A_539] : memref<32x200x128xi32, #tpu.memory_space<hbm>> -> memref<1x200x128xi32, #tpu.memory_space<hbm>>
      %dma_wait3A_541 = tpu.memref_squeeze %dma_wait3A_540 : memref<1x200x128xi32, #tpu.memory_space<hbm>> -> memref<200x128xi32, #tpu.memory_space<hbm>>
      tpu.wait_dma2 semaphore(%run_scoped3A : memref<!tpu.dma_semaphore, #tpu.memory_space<semaphore_mem>>) src(%dma_wait3A_541 : memref<200x128xi32, #tpu.memory_space<hbm>>) dst(%arg5 : memref<200x128xi32, #tpu.memory_space<vmem>>)
      tpu.yield
    }) : () -> ()
    %dma_start3A = arith.constant 0 : i32
    %dma_start3A_3 = arith.constant 0 : i32
    %dma_start3A_4 = arith.constant 0 : i32
    %dma_start3A_5 = arith.constant 0 : i32
    %dma_start3A_6 = tpu.memref_slice %arg6[%dma_start3A_3, %dma_start3A_4, %dma_start3A_5] : memref<10x128x64xf32, #tpu.memory_space<vmem>> -> memref<1x128x64xf32, #tpu.memory_space<vmem>>
    %dma_start3A_7 = tpu.memref_squeeze %dma_start3A_6 : memref<1x128x64xf32, #tpu.memory_space<vmem>> -> memref<128x64xf32, #tpu.memory_space<vmem>>
    %dma_start3A_8 = arith.constant 0 : i32
    %dma_start3A_9 = tpu.memref_slice %arg5[%dma_start3A, %dma_start3A_8] : memref<200x128xi32, #tpu.memory_space<vmem>> -> memref<1x128xi32, #tpu.memory_space<vmem>>
    %dma_start3A_10 = tpu.memref_squeeze %dma_start3A_9 : memref<1x128xi32, #tpu.memory_space<vmem>> -> memref<128xi32, #tpu.memory_space<vmem>>
    %dma_start3A_11 = arith.constant 0 : i32
    %dma_start3A_12 = arith.constant 0 : i32
    %dma_start3A_13 = tpu.memref_slice %arg3[%dma_start3A_11, %dma_start3A_12] : memref<1000000x64xf32, #tpu.memory_space<hbm>> -> memref<1000000x64xf32, #tpu.memory_space<hbm>>
    tpu.enqueue_indirect_dma source(%dma_start3A_13 : memref<1000000x64xf32, #tpu.memory_space<hbm>>) target(%dma_start3A_7 : memref<128x64xf32, #tpu.memory_space<vmem>>) offsets(%dma_start3A_10 : memref<128xi32, #tpu.memory_space<vmem>>) semaphore(%arg7 : memref<!tpu.dma_semaphore, #tpu.memory_space<semaphore_mem>>)
    %dma_start3A_14 = arith.constant 1 : i32
    %dma_start3A_15 = arith.constant 1 : i32
    %dma_start3A_16 = arith.constant 0 : i32
    %dma_start3A_17 = arith.constant 0 : i32
    %dma_start3A_18 = tpu.memref_slice %arg6[%dma_start3A_15, %dma_start3A_16, %dma_start3A_17] : memref<10x128x64xf32, #tpu.memory_space<vmem>> -> memref<1x128x64xf32, #tpu.memory_space<vmem>>
    %dma_start3A_19 = tpu.memref_squeeze %dma_start3A_18 : memref<1x128x64xf32, #tpu.memory_space<vmem>> -> memref<128x64xf32, #tpu.memory_space<vmem>>
    %dma_start3A_20 = arith.constant 0 : i32
    %dma_start3A_21 = tpu.memref_slice %arg5[%dma_start3A_14, %dma_start3A_20] : memref<200x128xi32, #tpu.memory_space<vmem>> -> memref<1x128xi32, #tpu.memory_space<vmem>>
    %dma_start3A_22 = tpu.memref_squeeze %dma_start3A_21 : memref<1x128xi32, #tpu.memory_space<vmem>> -> memref<128xi32, #tpu.memory_space<vmem>>
    %dma_start3A_23 = arith.constant 0 : i32
    %dma_start3A_24 = arith.constant 0 : i32
    %dma_start3A_25 = tpu.memref_slice %arg3[%dma_start3A_23, %dma_start3A_24] : memref<1000000x64xf32, #tpu.memory_space<hbm>> -> memref<1000000x64xf32, #tpu.memory_space<hbm>>
    tpu.enqueue_indirect_dma source(%dma_start3A_25 : memref<1000000x64xf32, #tpu.memory_space<hbm>>) target(%dma_start3A_19 : memref<128x64xf32, #tpu.memory_space<vmem>>) offsets(%dma_start3A_22 : memref<128xi32, #tpu.memory_space<vmem>>) semaphore(%arg7 : memref<!tpu.dma_semaphore, #tpu.memory_space<semaphore_mem>>)
    %dma_start3A_26 = arith.constant 2 : i32
    %dma_start3A_27 = arith.constant 2 : i32
    %dma_start3A_28 = arith.constant 0 : i32
    %dma_start3A_29 = arith.constant 0 : i32
    %dma_start3A_30 = tpu.memref_slice %arg6[%dma_start3A_27, %dma_start3A_28, %dma_start3A_29] : memref<10x128x64xf32, #tpu.memory_space<vmem>> -> memref<1x128x64xf32, #tpu.memory_space<vmem>>
    %dma_start3A_31 = tpu.memref_squeeze %dma_start3A_30 : memref<1x128x64xf32, #tpu.memory_space<vmem>> -> memref<128x64xf32, #tpu.memory_space<vmem>>
    %dma_start3A_32 = arith.constant 0 : i32
    %dma_start3A_33 = tpu.memref_slice %arg5[%dma_start3A_26, %dma_start3A_32] : memref<200x128xi32, #tpu.memory_space<vmem>> -> memref<1x128xi32, #tpu.memory_space<vmem>>
    %dma_start3A_34 = tpu.memref_squeeze %dma_start3A_33 : memref<1x128xi32, #tpu.memory_space<vmem>> -> memref<128xi32, #tpu.memory_space<vmem>>
    %dma_start3A_35 = arith.constant 0 : i32
    %dma_start3A_36 = arith.constant 0 : i32
    %dma_start3A_37 = tpu.memref_slice %arg3[%dma_start3A_35, %dma_start3A_36] : memref<1000000x64xf32, #tpu.memory_space<hbm>> -> memref<1000000x64xf32, #tpu.memory_space<hbm>>
    tpu.enqueue_indirect_dma source(%dma_start3A_37 : memref<1000000x64xf32, #tpu.memory_space<hbm>>) target(%dma_start3A_31 : memref<128x64xf32, #tpu.memory_space<vmem>>) offsets(%dma_start3A_34 : memref<128xi32, #tpu.memory_space<vmem>>) semaphore(%arg7 : memref<!tpu.dma_semaphore, #tpu.memory_space<semaphore_mem>>)
    %dma_start3A_38 = arith.constant 3 : i32
    %dma_start3A_39 = arith.constant 3 : i32
    %dma_start3A_40 = arith.constant 0 : i32
    %dma_start3A_41 = arith.constant 0 : i32
    %dma_start3A_42 = tpu.memref_slice %arg6[%dma_start3A_39, %dma_start3A_40, %dma_start3A_41] : memref<10x128x64xf32, #tpu.memory_space<vmem>> -> memref<1x128x64xf32, #tpu.memory_space<vmem>>
    %dma_start3A_43 = tpu.memref_squeeze %dma_start3A_42 : memref<1x128x64xf32, #tpu.memory_space<vmem>> -> memref<128x64xf32, #tpu.memory_space<vmem>>
    %dma_start3A_44 = arith.constant 0 : i32
    %dma_start3A_45 = tpu.memref_slice %arg5[%dma_start3A_38, %dma_start3A_44] : memref<200x128xi32, #tpu.memory_space<vmem>> -> memref<1x128xi32, #tpu.memory_space<vmem>>
    %dma_start3A_46 = tpu.memref_squeeze %dma_start3A_45 : memref<1x128xi32, #tpu.memory_space<vmem>> -> memref<128xi32, #tpu.memory_space<vmem>>
    %dma_start3A_47 = arith.constant 0 : i32
    %dma_start3A_48 = arith.constant 0 : i32
    %dma_start3A_49 = tpu.memref_slice %arg3[%dma_start3A_47, %dma_start3A_48] : memref<1000000x64xf32, #tpu.memory_space<hbm>> -> memref<1000000x64xf32, #tpu.memory_space<hbm>>
    tpu.enqueue_indirect_dma source(%dma_start3A_49 : memref<1000000x64xf32, #tpu.memory_space<hbm>>) target(%dma_start3A_43 : memref<128x64xf32, #tpu.memory_space<vmem>>) offsets(%dma_start3A_46 : memref<128xi32, #tpu.memory_space<vmem>>) semaphore(%arg7 : memref<!tpu.dma_semaphore, #tpu.memory_space<semaphore_mem>>)
    %dma_start3A_50 = arith.constant 4 : i32
    %dma_start3A_51 = arith.constant 4 : i32
    %dma_start3A_52 = arith.constant 0 : i32
    %dma_start3A_53 = arith.constant 0 : i32
    %dma_start3A_54 = tpu.memref_slice %arg6[%dma_start3A_51, %dma_start3A_52, %dma_start3A_53] : memref<10x128x64xf32, #tpu.memory_space<vmem>> -> memref<1x128x64xf32, #tpu.memory_space<vmem>>
    %dma_start3A_55 = tpu.memref_squeeze %dma_start3A_54 : memref<1x128x64xf32, #tpu.memory_space<vmem>> -> memref<128x64xf32, #tpu.memory_space<vmem>>
    %dma_start3A_56 = arith.constant 0 : i32
    %dma_start3A_57 = tpu.memref_slice %arg5[%dma_start3A_50, %dma_start3A_56] : memref<200x128xi32, #tpu.memory_space<vmem>> -> memref<1x128xi32, #tpu.memory_space<vmem>>
    %dma_start3A_58 = tpu.memref_squeeze %dma_start3A_57 : memref<1x128xi32, #tpu.memory_space<vmem>> -> memref<128xi32, #tpu.memory_space<vmem>>
    %dma_start3A_59 = arith.constant 0 : i32
    %dma_start3A_60 = arith.constant 0 : i32
    %dma_start3A_61 = tpu.memref_slice %arg3[%dma_start3A_59, %dma_start3A_60] : memref<1000000x64xf32, #tpu.memory_space<hbm>> -> memref<1000000x64xf32, #tpu.memory_space<hbm>>
    tpu.enqueue_indirect_dma source(%dma_start3A_61 : memref<1000000x64xf32, #tpu.memory_space<hbm>>) target(%dma_start3A_55 : memref<128x64xf32, #tpu.memory_space<vmem>>) offsets(%dma_start3A_58 : memref<128xi32, #tpu.memory_space<vmem>>) semaphore(%arg7 : memref<!tpu.dma_semaphore, #tpu.memory_space<semaphore_mem>>)
    %dma_start3A_62 = arith.constant 5 : i32
    %dma_start3A_63 = arith.constant 5 : i32
    %dma_start3A_64 = arith.constant 0 : i32
    %dma_start3A_65 = arith.constant 0 : i32
    %dma_start3A_66 = tpu.memref_slice %arg6[%dma_start3A_63, %dma_start3A_64, %dma_start3A_65] : memref<10x128x64xf32, #tpu.memory_space<vmem>> -> memref<1x128x64xf32, #tpu.memory_space<vmem>>
    %dma_start3A_67 = tpu.memref_squeeze %dma_start3A_66 : memref<1x128x64xf32, #tpu.memory_space<vmem>> -> memref<128x64xf32, #tpu.memory_space<vmem>>
    %dma_start3A_68 = arith.constant 0 : i32
    %dma_start3A_69 = tpu.memref_slice %arg5[%dma_start3A_62, %dma_start3A_68] : memref<200x128xi32, #tpu.memory_space<vmem>> -> memref<1x128xi32, #tpu.memory_space<vmem>>
    %dma_start3A_70 = tpu.memref_squeeze %dma_start3A_69 : memref<1x128xi32, #tpu.memory_space<vmem>> -> memref<128xi32, #tpu.memory_space<vmem>>
    %dma_start3A_71 = arith.constant 0 : i32
    %dma_start3A_72 = arith.constant 0 : i32
    %dma_start3A_73 = tpu.memref_slice %arg3[%dma_start3A_71, %dma_start3A_72] : memref<1000000x64xf32, #tpu.memory_space<hbm>> -> memref<1000000x64xf32, #tpu.memory_space<hbm>>
    tpu.enqueue_indirect_dma source(%dma_start3A_73 : memref<1000000x64xf32, #tpu.memory_space<hbm>>) target(%dma_start3A_67 : memref<128x64xf32, #tpu.memory_space<vmem>>) offsets(%dma_start3A_70 : memref<128xi32, #tpu.memory_space<vmem>>) semaphore(%arg8 : memref<!tpu.dma_semaphore, #tpu.memory_space<semaphore_mem>>)
    %dma_start3A_74 = arith.constant 6 : i32
    %dma_start3A_75 = arith.constant 6 : i32
    %dma_start3A_76 = arith.constant 0 : i32
    %dma_start3A_77 = arith.constant 0 : i32
    %dma_start3A_78 = tpu.memref_slice %arg6[%dma_start3A_75, %dma_start3A_76, %dma_start3A_77] : memref<10x128x64xf32, #tpu.memory_space<vmem>> -> memref<1x128x64xf32, #tpu.memory_space<vmem>>
    %dma_start3A_79 = tpu.memref_squeeze %dma_start3A_78 : memref<1x128x64xf32, #tpu.memory_space<vmem>> -> memref<128x64xf32, #tpu.memory_space<vmem>>
    %dma_start3A_80 = arith.constant 0 : i32
    %dma_start3A_81 = tpu.memref_slice %arg5[%dma_start3A_74, %dma_start3A_80] : memref<200x128xi32, #tpu.memory_space<vmem>> -> memref<1x128xi32, #tpu.memory_space<vmem>>
    %dma_start3A_82 = tpu.memref_squeeze %dma_start3A_81 : memref<1x128xi32, #tpu.memory_space<vmem>> -> memref<128xi32, #tpu.memory_space<vmem>>
    %dma_start3A_83 = arith.constant 0 : i32
    %dma_start3A_84 = arith.constant 0 : i32
    %dma_start3A_85 = tpu.memref_slice %arg3[%dma_start3A_83, %dma_start3A_84] : memref<1000000x64xf32, #tpu.memory_space<hbm>> -> memref<1000000x64xf32, #tpu.memory_space<hbm>>
    tpu.enqueue_indirect_dma source(%dma_start3A_85 : memref<1000000x64xf32, #tpu.memory_space<hbm>>) target(%dma_start3A_79 : memref<128x64xf32, #tpu.memory_space<vmem>>) offsets(%dma_start3A_82 : memref<128xi32, #tpu.memory_space<vmem>>) semaphore(%arg8 : memref<!tpu.dma_semaphore, #tpu.memory_space<semaphore_mem>>)
    %dma_start3A_86 = arith.constant 7 : i32
    %dma_start3A_87 = arith.constant 7 : i32
    %dma_start3A_88 = arith.constant 0 : i32
    %dma_start3A_89 = arith.constant 0 : i32
    %dma_start3A_90 = tpu.memref_slice %arg6[%dma_start3A_87, %dma_start3A_88, %dma_start3A_89] : memref<10x128x64xf32, #tpu.memory_space<vmem>> -> memref<1x128x64xf32, #tpu.memory_space<vmem>>
    %dma_start3A_91 = tpu.memref_squeeze %dma_start3A_90 : memref<1x128x64xf32, #tpu.memory_space<vmem>> -> memref<128x64xf32, #tpu.memory_space<vmem>>
    %dma_start3A_92 = arith.constant 0 : i32
    %dma_start3A_93 = tpu.memref_slice %arg5[%dma_start3A_86, %dma_start3A_92] : memref<200x128xi32, #tpu.memory_space<vmem>> -> memref<1x128xi32, #tpu.memory_space<vmem>>
    %dma_start3A_94 = tpu.memref_squeeze %dma_start3A_93 : memref<1x128xi32, #tpu.memory_space<vmem>> -> memref<128xi32, #tpu.memory_space<vmem>>
    %dma_start3A_95 = arith.constant 0 : i32
    %dma_start3A_96 = arith.constant 0 : i32
    %dma_start3A_97 = tpu.memref_slice %arg3[%dma_start3A_95, %dma_start3A_96] : memref<1000000x64xf32, #tpu.memory_space<hbm>> -> memref<1000000x64xf32, #tpu.memory_space<hbm>>
    tpu.enqueue_indirect_dma source(%dma_start3A_97 : memref<1000000x64xf32, #tpu.memory_space<hbm>>) target(%dma_start3A_91 : memref<128x64xf32, #tpu.memory_space<vmem>>) offsets(%dma_start3A_94 : memref<128xi32, #tpu.memory_space<vmem>>) semaphore(%arg8 : memref<!tpu.dma_semaphore, #tpu.memory_space<semaphore_mem>>)
    %dma_start3A_98 = arith.constant 8 : i32
    %dma_start3A_99 = arith.constant 8 : i32
    %dma_start3A_100 = arith.constant 0 : i32
    %dma_start3A_101 = arith.constant 0 : i32
    %dma_start3A_102 = tpu.memref_slice %arg6[%dma_start3A_99, %dma_start3A_100, %dma_start3A_101] : memref<10x128x64xf32, #tpu.memory_space<vmem>> -> memref<1x128x64xf32, #tpu.memory_space<vmem>>
    %dma_start3A_103 = tpu.memref_squeeze %dma_start3A_102 : memref<1x128x64xf32, #tpu.memory_space<vmem>> -> memref<128x64xf32, #tpu.memory_space<vmem>>
    %dma_start3A_104 = arith.constant 0 : i32
    %dma_start3A_105 = tpu.memref_slice %arg5[%dma_start3A_98, %dma_start3A_104] : memref<200x128xi32, #tpu.memory_space<vmem>> -> memref<1x128xi32, #tpu.memory_space<vmem>>
    %dma_start3A_106 = tpu.memref_squeeze %dma_start3A_105 : memref<1x128xi32, #tpu.memory_space<vmem>> -> memref<128xi32, #tpu.memory_space<vmem>>
    %dma_start3A_107 = arith.constant 0 : i32
    %dma_start3A_108 = arith.constant 0 : i32
    %dma_start3A_109 = tpu.memref_slice %arg3[%dma_start3A_107, %dma_start3A_108] : memref<1000000x64xf32, #tpu.memory_space<hbm>> -> memref<1000000x64xf32, #tpu.memory_space<hbm>>
    tpu.enqueue_indirect_dma source(%dma_start3A_109 : memref<1000000x64xf32, #tpu.memory_space<hbm>>) target(%dma_start3A_103 : memref<128x64xf32, #tpu.memory_space<vmem>>) offsets(%dma_start3A_106 : memref<128xi32, #tpu.memory_space<vmem>>) semaphore(%arg8 : memref<!tpu.dma_semaphore, #tpu.memory_space<semaphore_mem>>)
    %dma_start3A_110 = arith.constant 9 : i32
    %dma_start3A_111 = arith.constant 9 : i32
    %dma_start3A_112 = arith.constant 0 : i32
    %dma_start3A_113 = arith.constant 0 : i32
    %dma_start3A_114 = tpu.memref_slice %arg6[%dma_start3A_111, %dma_start3A_112, %dma_start3A_113] : memref<10x128x64xf32, #tpu.memory_space<vmem>> -> memref<1x128x64xf32, #tpu.memory_space<vmem>>
    %dma_start3A_115 = tpu.memref_squeeze %dma_start3A_114 : memref<1x128x64xf32, #tpu.memory_space<vmem>> -> memref<128x64xf32, #tpu.memory_space<vmem>>
    %dma_start3A_116 = arith.constant 0 : i32
    %dma_start3A_117 = tpu.memref_slice %arg5[%dma_start3A_110, %dma_start3A_116] : memref<200x128xi32, #tpu.memory_space<vmem>> -> memref<1x128xi32, #tpu.memory_space<vmem>>
    %dma_start3A_118 = tpu.memref_squeeze %dma_start3A_117 : memref<1x128xi32, #tpu.memory_space<vmem>> -> memref<128xi32, #tpu.memory_space<vmem>>
    %dma_start3A_119 = arith.constant 0 : i32
    %dma_start3A_120 = arith.constant 0 : i32
    %dma_start3A_121 = tpu.memref_slice %arg3[%dma_start3A_119, %dma_start3A_120] : memref<1000000x64xf32, #tpu.memory_space<hbm>> -> memref<1000000x64xf32, #tpu.memory_space<hbm>>
    tpu.enqueue_indirect_dma source(%dma_start3A_121 : memref<1000000x64xf32, #tpu.memory_space<hbm>>) target(%dma_start3A_115 : memref<128x64xf32, #tpu.memory_space<vmem>>) offsets(%dma_start3A_118 : memref<128xi32, #tpu.memory_space<vmem>>) semaphore(%arg8 : memref<!tpu.dma_semaphore, #tpu.memory_space<semaphore_mem>>)
    %dma_wait3A = arith.constant 0 : i32
    %dma_wait3A_122 = arith.constant 0 : i32
    %dma_wait3A_123 = arith.constant 0 : i32
    %dma_wait3A_124 = arith.constant 0 : i32
    %dma_wait3A_125 = tpu.memref_slice %arg6[%dma_wait3A_122, %dma_wait3A_123, %dma_wait3A_124] : memref<10x128x64xf32, #tpu.memory_space<vmem>> -> memref<1x128x64xf32, #tpu.memory_space<vmem>>
    %dma_wait3A_126 = tpu.memref_squeeze %dma_wait3A_125 : memref<1x128x64xf32, #tpu.memory_space<vmem>> -> memref<128x64xf32, #tpu.memory_space<vmem>>
    %dma_wait3A_127 = arith.constant 0 : i32
    %dma_wait3A_128 = tpu.memref_slice %arg5[%dma_wait3A, %dma_wait3A_127] : memref<200x128xi32, #tpu.memory_space<vmem>> -> memref<1x128xi32, #tpu.memory_space<vmem>>
    %dma_wait3A_129 = tpu.memref_squeeze %dma_wait3A_128 : memref<1x128xi32, #tpu.memory_space<vmem>> -> memref<128xi32, #tpu.memory_space<vmem>>
    %dma_wait3A_130 = arith.constant 0 : i32
    %dma_wait3A_131 = arith.constant 0 : i32
    %dma_wait3A_132 = tpu.memref_slice %arg3[%dma_wait3A_130, %dma_wait3A_131] : memref<1000000x64xf32, #tpu.memory_space<hbm>> -> memref<1000000x64xf32, #tpu.memory_space<hbm>>
    tpu.wait_indirect_dma semaphore(%arg7 : memref<!tpu.dma_semaphore, #tpu.memory_space<semaphore_mem>>) src(%dma_wait3A_132 : memref<1000000x64xf32, #tpu.memory_space<hbm>>) dst(%dma_wait3A_126 : memref<128x64xf32, #tpu.memory_space<vmem>>)
    %dma_wait3A_133 = arith.constant 1 : i32
    %dma_wait3A_134 = arith.constant 1 : i32
    %dma_wait3A_135 = arith.constant 0 : i32
    %dma_wait3A_136 = arith.constant 0 : i32
    %dma_wait3A_137 = tpu.memref_slice %arg6[%dma_wait3A_134, %dma_wait3A_135, %dma_wait3A_136] : memref<10x128x64xf32, #tpu.memory_space<vmem>> -> memref<1x128x64xf32, #tpu.memory_space<vmem>>
    %dma_wait3A_138 = tpu.memref_squeeze %dma_wait3A_137 : memref<1x128x64xf32, #tpu.memory_space<vmem>> -> memref<128x64xf32, #tpu.memory_space<vmem>>
    %dma_wait3A_139 = arith.constant 0 : i32
    %dma_wait3A_140 = tpu.memref_slice %arg5[%dma_wait3A_133, %dma_wait3A_139] : memref<200x128xi32, #tpu.memory_space<vmem>> -> memref<1x128xi32, #tpu.memory_space<vmem>>
    %dma_wait3A_141 = tpu.memref_squeeze %dma_wait3A_140 : memref<1x128xi32, #tpu.memory_space<vmem>> -> memref<128xi32, #tpu.memory_space<vmem>>
    %dma_wait3A_142 = arith.constant 0 : i32
    %dma_wait3A_143 = arith.constant 0 : i32
    %dma_wait3A_144 = tpu.memref_slice %arg3[%dma_wait3A_142, %dma_wait3A_143] : memref<1000000x64xf32, #tpu.memory_space<hbm>> -> memref<1000000x64xf32, #tpu.memory_space<hbm>>
    tpu.wait_indirect_dma semaphore(%arg7 : memref<!tpu.dma_semaphore, #tpu.memory_space<semaphore_mem>>) src(%dma_wait3A_144 : memref<1000000x64xf32, #tpu.memory_space<hbm>>) dst(%dma_wait3A_138 : memref<128x64xf32, #tpu.memory_space<vmem>>)
    %dma_wait3A_145 = arith.constant 2 : i32
    %dma_wait3A_146 = arith.constant 2 : i32
    %dma_wait3A_147 = arith.constant 0 : i32
    %dma_wait3A_148 = arith.constant 0 : i32
    %dma_wait3A_149 = tpu.memref_slice %arg6[%dma_wait3A_146, %dma_wait3A_147, %dma_wait3A_148] : memref<10x128x64xf32, #tpu.memory_space<vmem>> -> memref<1x128x64xf32, #tpu.memory_space<vmem>>
    %dma_wait3A_150 = tpu.memref_squeeze %dma_wait3A_149 : memref<1x128x64xf32, #tpu.memory_space<vmem>> -> memref<128x64xf32, #tpu.memory_space<vmem>>
    %dma_wait3A_151 = arith.constant 0 : i32
    %dma_wait3A_152 = tpu.memref_slice %arg5[%dma_wait3A_145, %dma_wait3A_151] : memref<200x128xi32, #tpu.memory_space<vmem>> -> memref<1x128xi32, #tpu.memory_space<vmem>>
    %dma_wait3A_153 = tpu.memref_squeeze %dma_wait3A_152 : memref<1x128xi32, #tpu.memory_space<vmem>> -> memref<128xi32, #tpu.memory_space<vmem>>
    %dma_wait3A_154 = arith.constant 0 : i32
    %dma_wait3A_155 = arith.constant 0 : i32
    %dma_wait3A_156 = tpu.memref_slice %arg3[%dma_wait3A_154, %dma_wait3A_155] : memref<1000000x64xf32, #tpu.memory_space<hbm>> -> memref<1000000x64xf32, #tpu.memory_space<hbm>>
    tpu.wait_indirect_dma semaphore(%arg7 : memref<!tpu.dma_semaphore, #tpu.memory_space<semaphore_mem>>) src(%dma_wait3A_156 : memref<1000000x64xf32, #tpu.memory_space<hbm>>) dst(%dma_wait3A_150 : memref<128x64xf32, #tpu.memory_space<vmem>>)
    %dma_wait3A_157 = arith.constant 3 : i32
    %dma_wait3A_158 = arith.constant 3 : i32
    %dma_wait3A_159 = arith.constant 0 : i32
    %dma_wait3A_160 = arith.constant 0 : i32
    %dma_wait3A_161 = tpu.memref_slice %arg6[%dma_wait3A_158, %dma_wait3A_159, %dma_wait3A_160] : memref<10x128x64xf32, #tpu.memory_space<vmem>> -> memref<1x128x64xf32, #tpu.memory_space<vmem>>
    %dma_wait3A_162 = tpu.memref_squeeze %dma_wait3A_161 : memref<1x128x64xf32, #tpu.memory_space<vmem>> -> memref<128x64xf32, #tpu.memory_space<vmem>>
    %dma_wait3A_163 = arith.constant 0 : i32
    %dma_wait3A_164 = tpu.memref_slice %arg5[%dma_wait3A_157, %dma_wait3A_163] : memref<200x128xi32, #tpu.memory_space<vmem>> -> memref<1x128xi32, #tpu.memory_space<vmem>>
    %dma_wait3A_165 = tpu.memref_squeeze %dma_wait3A_164 : memref<1x128xi32, #tpu.memory_space<vmem>> -> memref<128xi32, #tpu.memory_space<vmem>>
    %dma_wait3A_166 = arith.constant 0 : i32
    %dma_wait3A_167 = arith.constant 0 : i32
    %dma_wait3A_168 = tpu.memref_slice %arg3[%dma_wait3A_166, %dma_wait3A_167] : memref<1000000x64xf32, #tpu.memory_space<hbm>> -> memref<1000000x64xf32, #tpu.memory_space<hbm>>
    tpu.wait_indirect_dma semaphore(%arg7 : memref<!tpu.dma_semaphore, #tpu.memory_space<semaphore_mem>>) src(%dma_wait3A_168 : memref<1000000x64xf32, #tpu.memory_space<hbm>>) dst(%dma_wait3A_162 : memref<128x64xf32, #tpu.memory_space<vmem>>)
    %dma_wait3A_169 = arith.constant 4 : i32
    %dma_wait3A_170 = arith.constant 4 : i32
    %dma_wait3A_171 = arith.constant 0 : i32
    %dma_wait3A_172 = arith.constant 0 : i32
    %dma_wait3A_173 = tpu.memref_slice %arg6[%dma_wait3A_170, %dma_wait3A_171, %dma_wait3A_172] : memref<10x128x64xf32, #tpu.memory_space<vmem>> -> memref<1x128x64xf32, #tpu.memory_space<vmem>>
    %dma_wait3A_174 = tpu.memref_squeeze %dma_wait3A_173 : memref<1x128x64xf32, #tpu.memory_space<vmem>> -> memref<128x64xf32, #tpu.memory_space<vmem>>
    %dma_wait3A_175 = arith.constant 0 : i32
    %dma_wait3A_176 = tpu.memref_slice %arg5[%dma_wait3A_169, %dma_wait3A_175] : memref<200x128xi32, #tpu.memory_space<vmem>> -> memref<1x128xi32, #tpu.memory_space<vmem>>
    %dma_wait3A_177 = tpu.memref_squeeze %dma_wait3A_176 : memref<1x128xi32, #tpu.memory_space<vmem>> -> memref<128xi32, #tpu.memory_space<vmem>>
    %dma_wait3A_178 = arith.constant 0 : i32
    %dma_wait3A_179 = arith.constant 0 : i32
    %dma_wait3A_180 = tpu.memref_slice %arg3[%dma_wait3A_178, %dma_wait3A_179] : memref<1000000x64xf32, #tpu.memory_space<hbm>> -> memref<1000000x64xf32, #tpu.memory_space<hbm>>
    tpu.wait_indirect_dma semaphore(%arg7 : memref<!tpu.dma_semaphore, #tpu.memory_space<semaphore_mem>>) src(%dma_wait3A_180 : memref<1000000x64xf32, #tpu.memory_space<hbm>>) dst(%dma_wait3A_174 : memref<128x64xf32, #tpu.memory_space<vmem>>)
    %add3A_181 = arith.constant 0 : i32
    %add3A_182 = arith.addi %mul3A_2, %add3A_181 : i32
    %dma_start3A_183 = arith.constant 0 : i32
    %dma_start3A_184 = arith.constant 0 : i32
    %dma_start3A_185 = arith.constant 0 : i32
    %dma_start3A_186 = tpu.memref_slice %arg6[%dma_start3A_183, %dma_start3A_184, %dma_start3A_185] : memref<10x128x64xf32, #tpu.memory_space<vmem>> -> memref<1x128x64xf32, #tpu.memory_space<vmem>>
    %dma_start3A_187 = tpu.memref_squeeze %dma_start3A_186 : memref<1x128x64xf32, #tpu.memory_space<vmem>> -> memref<128x64xf32, #tpu.memory_space<vmem>>
    %dma_start3A_188 = arith.constant 0 : i32
    %dma_start3A_189 = tpu.memref_slice %arg4[%add3A_182, %dma_start3A_188] : memref<819200x64xf32, #tpu.memory_space<hbm>> -> memref<128x64xf32, #tpu.memory_space<hbm>>
    %dma_start3A_190 = arith.constant 0 : i32
    %dma_start3A_191 = tpu.memref_slice %arg4[%add3A_182, %dma_start3A_190] : memref<819200x64xf32, #tpu.memory_space<hbm>> -> memref<128x64xf32, #tpu.memory_space<hbm>>
    %dma_start3A_192 = arith.constant 0 : i32
    %dma_start3A_193 = arith.constant 0 : i32
    %dma_start3A_194 = tpu.memref_slice %arg6[%dma_start3A_183, %dma_start3A_192, %dma_start3A_193] : memref<10x128x64xf32, #tpu.memory_space<vmem>> -> memref<1x128x64xf32, #tpu.memory_space<vmem>>
    %dma_start3A_195 = tpu.memref_squeeze %dma_start3A_194 : memref<1x128x64xf32, #tpu.memory_space<vmem>> -> memref<128x64xf32, #tpu.memory_space<vmem>>
    tpu.enqueue_dma source(%dma_start3A_195 : memref<128x64xf32, #tpu.memory_space<vmem>>) target(%dma_start3A_191 : memref<128x64xf32, #tpu.memory_space<hbm>>) target_semaphore(%arg9 : memref<!tpu.dma_semaphore, #tpu.memory_space<semaphore_mem>>)
    %add3A_196 = arith.constant 128 : i32
    %add3A_197 = arith.addi %mul3A_2, %add3A_196 : i32
    %dma_start3A_198 = arith.constant 1 : i32
    %dma_start3A_199 = arith.constant 0 : i32
    %dma_start3A_200 = arith.constant 0 : i32
    %dma_start3A_201 = tpu.memref_slice %arg6[%dma_start3A_198, %dma_start3A_199, %dma_start3A_200] : memref<10x128x64xf32, #tpu.memory_space<vmem>> -> memref<1x128x64xf32, #tpu.memory_space<vmem>>
    %dma_start3A_202 = tpu.memref_squeeze %dma_start3A_201 : memref<1x128x64xf32, #tpu.memory_space<vmem>> -> memref<128x64xf32, #tpu.memory_space<vmem>>
    %dma_start3A_203 = arith.constant 0 : i32
    %dma_start3A_204 = tpu.memref_slice %arg4[%add3A_197, %dma_start3A_203] : memref<819200x64xf32, #tpu.memory_space<hbm>> -> memref<128x64xf32, #tpu.memory_space<hbm>>
    %dma_start3A_205 = arith.constant 0 : i32
    %dma_start3A_206 = tpu.memref_slice %arg4[%add3A_197, %dma_start3A_205] : memref<819200x64xf32, #tpu.memory_space<hbm>> -> memref<128x64xf32, #tpu.memory_space<hbm>>
    %dma_start3A_207 = arith.constant 0 : i32
    %dma_start3A_208 = arith.constant 0 : i32
    %dma_start3A_209 = tpu.memref_slice %arg6[%dma_start3A_198, %dma_start3A_207, %dma_start3A_208] : memref<10x128x64xf32, #tpu.memory_space<vmem>> -> memref<1x128x64xf32, #tpu.memory_space<vmem>>
    %dma_start3A_210 = tpu.memref_squeeze %dma_start3A_209 : memref<1x128x64xf32, #tpu.memory_space<vmem>> -> memref<128x64xf32, #tpu.memory_space<vmem>>
    tpu.enqueue_dma source(%dma_start3A_210 : memref<128x64xf32, #tpu.memory_space<vmem>>) target(%dma_start3A_206 : memref<128x64xf32, #tpu.memory_space<hbm>>) target_semaphore(%arg9 : memref<!tpu.dma_semaphore, #tpu.memory_space<semaphore_mem>>)
    %add3A_211 = arith.constant 256 : i32
    %add3A_212 = arith.addi %mul3A_2, %add3A_211 : i32
    %dma_start3A_213 = arith.constant 2 : i32
    %dma_start3A_214 = arith.constant 0 : i32
    %dma_start3A_215 = arith.constant 0 : i32
    %dma_start3A_216 = tpu.memref_slice %arg6[%dma_start3A_213, %dma_start3A_214, %dma_start3A_215] : memref<10x128x64xf32, #tpu.memory_space<vmem>> -> memref<1x128x64xf32, #tpu.memory_space<vmem>>
    %dma_start3A_217 = tpu.memref_squeeze %dma_start3A_216 : memref<1x128x64xf32, #tpu.memory_space<vmem>> -> memref<128x64xf32, #tpu.memory_space<vmem>>
    %dma_start3A_218 = arith.constant 0 : i32
    %dma_start3A_219 = tpu.memref_slice %arg4[%add3A_212, %dma_start3A_218] : memref<819200x64xf32, #tpu.memory_space<hbm>> -> memref<128x64xf32, #tpu.memory_space<hbm>>
    %dma_start3A_220 = arith.constant 0 : i32
    %dma_start3A_221 = tpu.memref_slice %arg4[%add3A_212, %dma_start3A_220] : memref<819200x64xf32, #tpu.memory_space<hbm>> -> memref<128x64xf32, #tpu.memory_space<hbm>>
    %dma_start3A_222 = arith.constant 0 : i32
    %dma_start3A_223 = arith.constant 0 : i32
    %dma_start3A_224 = tpu.memref_slice %arg6[%dma_start3A_213, %dma_start3A_222, %dma_start3A_223] : memref<10x128x64xf32, #tpu.memory_space<vmem>> -> memref<1x128x64xf32, #tpu.memory_space<vmem>>
    %dma_start3A_225 = tpu.memref_squeeze %dma_start3A_224 : memref<1x128x64xf32, #tpu.memory_space<vmem>> -> memref<128x64xf32, #tpu.memory_space<vmem>>
    tpu.enqueue_dma source(%dma_start3A_225 : memref<128x64xf32, #tpu.memory_space<vmem>>) target(%dma_start3A_221 : memref<128x64xf32, #tpu.memory_space<hbm>>) target_semaphore(%arg9 : memref<!tpu.dma_semaphore, #tpu.memory_space<semaphore_mem>>)
    %add3A_226 = arith.constant 384 : i32
    %add3A_227 = arith.addi %mul3A_2, %add3A_226 : i32
    %dma_start3A_228 = arith.constant 3 : i32
    %dma_start3A_229 = arith.constant 0 : i32
    %dma_start3A_230 = arith.constant 0 : i32
    %dma_start3A_231 = tpu.memref_slice %arg6[%dma_start3A_228, %dma_start3A_229, %dma_start3A_230] : memref<10x128x64xf32, #tpu.memory_space<vmem>> -> memref<1x128x64xf32, #tpu.memory_space<vmem>>
    %dma_start3A_232 = tpu.memref_squeeze %dma_start3A_231 : memref<1x128x64xf32, #tpu.memory_space<vmem>> -> memref<128x64xf32, #tpu.memory_space<vmem>>
    %dma_start3A_233 = arith.constant 0 : i32
    %dma_start3A_234 = tpu.memref_slice %arg4[%add3A_227, %dma_start3A_233] : memref<819200x64xf32, #tpu.memory_space<hbm>> -> memref<128x64xf32, #tpu.memory_space<hbm>>
    %dma_start3A_235 = arith.constant 0 : i32
    %dma_start3A_236 = tpu.memref_slice %arg4[%add3A_227, %dma_start3A_235] : memref<819200x64xf32, #tpu.memory_space<hbm>> -> memref<128x64xf32, #tpu.memory_space<hbm>>
    %dma_start3A_237 = arith.constant 0 : i32
    %dma_start3A_238 = arith.constant 0 : i32
    %dma_start3A_239 = tpu.memref_slice %arg6[%dma_start3A_228, %dma_start3A_237, %dma_start3A_238] : memref<10x128x64xf32, #tpu.memory_space<vmem>> -> memref<1x128x64xf32, #tpu.memory_space<vmem>>
    %dma_start3A_240 = tpu.memref_squeeze %dma_start3A_239 : memref<1x128x64xf32, #tpu.memory_space<vmem>> -> memref<128x64xf32, #tpu.memory_space<vmem>>
    tpu.enqueue_dma source(%dma_start3A_240 : memref<128x64xf32, #tpu.memory_space<vmem>>) target(%dma_start3A_236 : memref<128x64xf32, #tpu.memory_space<hbm>>) target_semaphore(%arg9 : memref<!tpu.dma_semaphore, #tpu.memory_space<semaphore_mem>>)
    %add3A_241 = arith.constant 512 : i32
    %add3A_242 = arith.addi %mul3A_2, %add3A_241 : i32
    %dma_start3A_243 = arith.constant 4 : i32
    %dma_start3A_244 = arith.constant 0 : i32
    %dma_start3A_245 = arith.constant 0 : i32
    %dma_start3A_246 = tpu.memref_slice %arg6[%dma_start3A_243, %dma_start3A_244, %dma_start3A_245] : memref<10x128x64xf32, #tpu.memory_space<vmem>> -> memref<1x128x64xf32, #tpu.memory_space<vmem>>
    %dma_start3A_247 = tpu.memref_squeeze %dma_start3A_246 : memref<1x128x64xf32, #tpu.memory_space<vmem>> -> memref<128x64xf32, #tpu.memory_space<vmem>>
    %dma_start3A_248 = arith.constant 0 : i32
    %dma_start3A_249 = tpu.memref_slice %arg4[%add3A_242, %dma_start3A_248] : memref<819200x64xf32, #tpu.memory_space<hbm>> -> memref<128x64xf32, #tpu.memory_space<hbm>>
    %dma_start3A_250 = arith.constant 0 : i32
    %dma_start3A_251 = tpu.memref_slice %arg4[%add3A_242, %dma_start3A_250] : memref<819200x64xf32, #tpu.memory_space<hbm>> -> memref<128x64xf32, #tpu.memory_space<hbm>>
    %dma_start3A_252 = arith.constant 0 : i32
    %dma_start3A_253 = arith.constant 0 : i32
    %dma_start3A_254 = tpu.memref_slice %arg6[%dma_start3A_243, %dma_start3A_252, %dma_start3A_253] : memref<10x128x64xf32, #tpu.memory_space<vmem>> -> memref<1x128x64xf32, #tpu.memory_space<vmem>>
    %dma_start3A_255 = tpu.memref_squeeze %dma_start3A_254 : memref<1x128x64xf32, #tpu.memory_space<vmem>> -> memref<128x64xf32, #tpu.memory_space<vmem>>
    tpu.enqueue_dma source(%dma_start3A_255 : memref<128x64xf32, #tpu.memory_space<vmem>>) target(%dma_start3A_251 : memref<128x64xf32, #tpu.memory_space<hbm>>) target_semaphore(%arg9 : memref<!tpu.dma_semaphore, #tpu.memory_space<semaphore_mem>>)
    %dma_wait3A_256 = arith.constant 5 : i32
    %dma_wait3A_257 = arith.constant 5 : i32
    %dma_wait3A_258 = arith.constant 0 : i32
    %dma_wait3A_259 = arith.constant 0 : i32
    %dma_wait3A_260 = tpu.memref_slice %arg6[%dma_wait3A_257, %dma_wait3A_258, %dma_wait3A_259] : memref<10x128x64xf32, #tpu.memory_space<vmem>> -> memref<1x128x64xf32, #tpu.memory_space<vmem>>
    %dma_wait3A_261 = tpu.memref_squeeze %dma_wait3A_260 : memref<1x128x64xf32, #tpu.memory_space<vmem>> -> memref<128x64xf32, #tpu.memory_space<vmem>>
    %dma_wait3A_262 = arith.constant 0 : i32
    %dma_wait3A_263 = tpu.memref_slice %arg5[%dma_wait3A_256, %dma_wait3A_262] : memref<200x128xi32, #tpu.memory_space<vmem>> -> memref<1x128xi32, #tpu.memory_space<vmem>>
    %dma_wait3A_264 = tpu.memref_squeeze %dma_wait3A_263 : memref<1x128xi32, #tpu.memory_space<vmem>> -> memref<128xi32, #tpu.memory_space<vmem>>
    %dma_wait3A_265 = arith.constant 0 : i32
    %dma_wait3A_266 = arith.constant 0 : i32
    %dma_wait3A_267 = tpu.memref_slice %arg3[%dma_wait3A_265, %dma_wait3A_266] : memref<1000000x64xf32, #tpu.memory_space<hbm>> -> memref<1000000x64xf32, #tpu.memory_space<hbm>>
    tpu.wait_indirect_dma semaphore(%arg8 : memref<!tpu.dma_semaphore, #tpu.memory_space<semaphore_mem>>) src(%dma_wait3A_267 : memref<1000000x64xf32, #tpu.memory_space<hbm>>) dst(%dma_wait3A_261 : memref<128x64xf32, #tpu.memory_space<vmem>>)
    %dma_wait3A_268 = arith.constant 6 : i32
    %dma_wait3A_269 = arith.constant 6 : i32
    %dma_wait3A_270 = arith.constant 0 : i32
    %dma_wait3A_271 = arith.constant 0 : i32
    %dma_wait3A_272 = tpu.memref_slice %arg6[%dma_wait3A_269, %dma_wait3A_270, %dma_wait3A_271] : memref<10x128x64xf32, #tpu.memory_space<vmem>> -> memref<1x128x64xf32, #tpu.memory_space<vmem>>
    %dma_wait3A_273 = tpu.memref_squeeze %dma_wait3A_272 : memref<1x128x64xf32, #tpu.memory_space<vmem>> -> memref<128x64xf32, #tpu.memory_space<vmem>>
    %dma_wait3A_274 = arith.constant 0 : i32
    %dma_wait3A_275 = tpu.memref_slice %arg5[%dma_wait3A_268, %dma_wait3A_274] : memref<200x128xi32, #tpu.memory_space<vmem>> -> memref<1x128xi32, #tpu.memory_space<vmem>>
    %dma_wait3A_276 = tpu.memref_squeeze %dma_wait3A_275 : memref<1x128xi32, #tpu.memory_space<vmem>> -> memref<128xi32, #tpu.memory_space<vmem>>
    %dma_wait3A_277 = arith.constant 0 : i32
    %dma_wait3A_278 = arith.constant 0 : i32
    %dma_wait3A_279 = tpu.memref_slice %arg3[%dma_wait3A_277, %dma_wait3A_278] : memref<1000000x64xf32, #tpu.memory_space<hbm>> -> memref<1000000x64xf32, #tpu.memory_space<hbm>>
    tpu.wait_indirect_dma semaphore(%arg8 : memref<!tpu.dma_semaphore, #tpu.memory_space<semaphore_mem>>) src(%dma_wait3A_279 : memref<1000000x64xf32, #tpu.memory_space<hbm>>) dst(%dma_wait3A_273 : memref<128x64xf32, #tpu.memory_space<vmem>>)
    %dma_wait3A_280 = arith.constant 7 : i32
    %dma_wait3A_281 = arith.constant 7 : i32
    %dma_wait3A_282 = arith.constant 0 : i32
    %dma_wait3A_283 = arith.constant 0 : i32
    %dma_wait3A_284 = tpu.memref_slice %arg6[%dma_wait3A_281, %dma_wait3A_282, %dma_wait3A_283] : memref<10x128x64xf32, #tpu.memory_space<vmem>> -> memref<1x128x64xf32, #tpu.memory_space<vmem>>
    %dma_wait3A_285 = tpu.memref_squeeze %dma_wait3A_284 : memref<1x128x64xf32, #tpu.memory_space<vmem>> -> memref<128x64xf32, #tpu.memory_space<vmem>>
    %dma_wait3A_286 = arith.constant 0 : i32
    %dma_wait3A_287 = tpu.memref_slice %arg5[%dma_wait3A_280, %dma_wait3A_286] : memref<200x128xi32, #tpu.memory_space<vmem>> -> memref<1x128xi32, #tpu.memory_space<vmem>>
    %dma_wait3A_288 = tpu.memref_squeeze %dma_wait3A_287 : memref<1x128xi32, #tpu.memory_space<vmem>> -> memref<128xi32, #tpu.memory_space<vmem>>
    %dma_wait3A_289 = arith.constant 0 : i32
    %dma_wait3A_290 = arith.constant 0 : i32
    %dma_wait3A_291 = tpu.memref_slice %arg3[%dma_wait3A_289, %dma_wait3A_290] : memref<1000000x64xf32, #tpu.memory_space<hbm>> -> memref<1000000x64xf32, #tpu.memory_space<hbm>>
    tpu.wait_indirect_dma semaphore(%arg8 : memref<!tpu.dma_semaphore, #tpu.memory_space<semaphore_mem>>) src(%dma_wait3A_291 : memref<1000000x64xf32, #tpu.memory_space<hbm>>) dst(%dma_wait3A_285 : memref<128x64xf32, #tpu.memory_space<vmem>>)
    %dma_wait3A_292 = arith.constant 8 : i32
    %dma_wait3A_293 = arith.constant 8 : i32
    %dma_wait3A_294 = arith.constant 0 : i32
    %dma_wait3A_295 = arith.constant 0 : i32
    %dma_wait3A_296 = tpu.memref_slice %arg6[%dma_wait3A_293, %dma_wait3A_294, %dma_wait3A_295] : memref<10x128x64xf32, #tpu.memory_space<vmem>> -> memref<1x128x64xf32, #tpu.memory_space<vmem>>
    %dma_wait3A_297 = tpu.memref_squeeze %dma_wait3A_296 : memref<1x128x64xf32, #tpu.memory_space<vmem>> -> memref<128x64xf32, #tpu.memory_space<vmem>>
    %dma_wait3A_298 = arith.constant 0 : i32
    %dma_wait3A_299 = tpu.memref_slice %arg5[%dma_wait3A_292, %dma_wait3A_298] : memref<200x128xi32, #tpu.memory_space<vmem>> -> memref<1x128xi32, #tpu.memory_space<vmem>>
    %dma_wait3A_300 = tpu.memref_squeeze %dma_wait3A_299 : memref<1x128xi32, #tpu.memory_space<vmem>> -> memref<128xi32, #tpu.memory_space<vmem>>
    %dma_wait3A_301 = arith.constant 0 : i32
    %dma_wait3A_302 = arith.constant 0 : i32
    %dma_wait3A_303 = tpu.memref_slice %arg3[%dma_wait3A_301, %dma_wait3A_302] : memref<1000000x64xf32, #tpu.memory_space<hbm>> -> memref<1000000x64xf32, #tpu.memory_space<hbm>>
    tpu.wait_indirect_dma semaphore(%arg8 : memref<!tpu.dma_semaphore, #tpu.memory_space<semaphore_mem>>) src(%dma_wait3A_303 : memref<1000000x64xf32, #tpu.memory_space<hbm>>) dst(%dma_wait3A_297 : memref<128x64xf32, #tpu.memory_space<vmem>>)
    %dma_wait3A_304 = arith.constant 9 : i32
    %dma_wait3A_305 = arith.constant 9 : i32
    %dma_wait3A_306 = arith.constant 0 : i32
    %dma_wait3A_307 = arith.constant 0 : i32
    %dma_wait3A_308 = tpu.memref_slice %arg6[%dma_wait3A_305, %dma_wait3A_306, %dma_wait3A_307] : memref<10x128x64xf32, #tpu.memory_space<vmem>> -> memref<1x128x64xf32, #tpu.memory_space<vmem>>
    %dma_wait3A_309 = tpu.memref_squeeze %dma_wait3A_308 : memref<1x128x64xf32, #tpu.memory_space<vmem>> -> memref<128x64xf32, #tpu.memory_space<vmem>>
    %dma_wait3A_310 = arith.constant 0 : i32
    %dma_wait3A_311 = tpu.memref_slice %arg5[%dma_wait3A_304, %dma_wait3A_310] : memref<200x128xi32, #tpu.memory_space<vmem>> -> memref<1x128xi32, #tpu.memory_space<vmem>>
    %dma_wait3A_312 = tpu.memref_squeeze %dma_wait3A_311 : memref<1x128xi32, #tpu.memory_space<vmem>> -> memref<128xi32, #tpu.memory_space<vmem>>
    %dma_wait3A_313 = arith.constant 0 : i32
    %dma_wait3A_314 = arith.constant 0 : i32
    %dma_wait3A_315 = tpu.memref_slice %arg3[%dma_wait3A_313, %dma_wait3A_314] : memref<1000000x64xf32, #tpu.memory_space<hbm>> -> memref<1000000x64xf32, #tpu.memory_space<hbm>>
    tpu.wait_indirect_dma semaphore(%arg8 : memref<!tpu.dma_semaphore, #tpu.memory_space<semaphore_mem>>) src(%dma_wait3A_315 : memref<1000000x64xf32, #tpu.memory_space<hbm>>) dst(%dma_wait3A_309 : memref<128x64xf32, #tpu.memory_space<vmem>>)
    %add3A_316 = arith.constant 640 : i32
    %add3A_317 = arith.addi %mul3A_2, %add3A_316 : i32
    %dma_start3A_318 = arith.constant 5 : i32
    %dma_start3A_319 = arith.constant 0 : i32
    %dma_start3A_320 = arith.constant 0 : i32
    %dma_start3A_321 = tpu.memref_slice %arg6[%dma_start3A_318, %dma_start3A_319, %dma_start3A_320] : memref<10x128x64xf32, #tpu.memory_space<vmem>> -> memref<1x128x64xf32, #tpu.memory_space<vmem>>
    %dma_start3A_322 = tpu.memref_squeeze %dma_start3A_321 : memref<1x128x64xf32, #tpu.memory_space<vmem>> -> memref<128x64xf32, #tpu.memory_space<vmem>>
    %dma_start3A_323 = arith.constant 0 : i32
    %dma_start3A_324 = tpu.memref_slice %arg4[%add3A_317, %dma_start3A_323] : memref<819200x64xf32, #tpu.memory_space<hbm>> -> memref<128x64xf32, #tpu.memory_space<hbm>>
    %dma_start3A_325 = arith.constant 0 : i32
    %dma_start3A_326 = tpu.memref_slice %arg4[%add3A_317, %dma_start3A_325] : memref<819200x64xf32, #tpu.memory_space<hbm>> -> memref<128x64xf32, #tpu.memory_space<hbm>>
    %dma_start3A_327 = arith.constant 0 : i32
    %dma_start3A_328 = arith.constant 0 : i32
    %dma_start3A_329 = tpu.memref_slice %arg6[%dma_start3A_318, %dma_start3A_327, %dma_start3A_328] : memref<10x128x64xf32, #tpu.memory_space<vmem>> -> memref<1x128x64xf32, #tpu.memory_space<vmem>>
    %dma_start3A_330 = tpu.memref_squeeze %dma_start3A_329 : memref<1x128x64xf32, #tpu.memory_space<vmem>> -> memref<128x64xf32, #tpu.memory_space<vmem>>
    tpu.enqueue_dma source(%dma_start3A_330 : memref<128x64xf32, #tpu.memory_space<vmem>>) target(%dma_start3A_326 : memref<128x64xf32, #tpu.memory_space<hbm>>) target_semaphore(%arg10 : memref<!tpu.dma_semaphore, #tpu.memory_space<semaphore_mem>>)
    %add3A_331 = arith.constant 768 : i32
    %add3A_332 = arith.addi %mul3A_2, %add3A_331 : i32
    %dma_start3A_333 = arith.constant 6 : i32
    %dma_start3A_334 = arith.constant 0 : i32
    %dma_start3A_335 = arith.constant 0 : i32
    %dma_start3A_336 = tpu.memref_slice %arg6[%dma_start3A_333, %dma_start3A_334, %dma_start3A_335] : memref<10x128x64xf32, #tpu.memory_space<vmem>> -> memref<1x128x64xf32, #tpu.memory_space<vmem>>
    %dma_start3A_337 = tpu.memref_squeeze %dma_start3A_336 : memref<1x128x64xf32, #tpu.memory_space<vmem>> -> memref<128x64xf32, #tpu.memory_space<vmem>>
    %dma_start3A_338 = arith.constant 0 : i32
    %dma_start3A_339 = tpu.memref_slice %arg4[%add3A_332, %dma_start3A_338] : memref<819200x64xf32, #tpu.memory_space<hbm>> -> memref<128x64xf32, #tpu.memory_space<hbm>>
    %dma_start3A_340 = arith.constant 0 : i32
    %dma_start3A_341 = tpu.memref_slice %arg4[%add3A_332, %dma_start3A_340] : memref<819200x64xf32, #tpu.memory_space<hbm>> -> memref<128x64xf32, #tpu.memory_space<hbm>>
    %dma_start3A_342 = arith.constant 0 : i32
    %dma_start3A_343 = arith.constant 0 : i32
    %dma_start3A_344 = tpu.memref_slice %arg6[%dma_start3A_333, %dma_start3A_342, %dma_start3A_343] : memref<10x128x64xf32, #tpu.memory_space<vmem>> -> memref<1x128x64xf32, #tpu.memory_space<vmem>>
    %dma_start3A_345 = tpu.memref_squeeze %dma_start3A_344 : memref<1x128x64xf32, #tpu.memory_space<vmem>> -> memref<128x64xf32, #tpu.memory_space<vmem>>
    tpu.enqueue_dma source(%dma_start3A_345 : memref<128x64xf32, #tpu.memory_space<vmem>>) target(%dma_start3A_341 : memref<128x64xf32, #tpu.memory_space<hbm>>) target_semaphore(%arg10 : memref<!tpu.dma_semaphore, #tpu.memory_space<semaphore_mem>>)
    %add3A_346 = arith.constant 896 : i32
    %add3A_347 = arith.addi %mul3A_2, %add3A_346 : i32
    %dma_start3A_348 = arith.constant 7 : i32
    %dma_start3A_349 = arith.constant 0 : i32
    %dma_start3A_350 = arith.constant 0 : i32
    %dma_start3A_351 = tpu.memref_slice %arg6[%dma_start3A_348, %dma_start3A_349, %dma_start3A_350] : memref<10x128x64xf32, #tpu.memory_space<vmem>> -> memref<1x128x64xf32, #tpu.memory_space<vmem>>
    %dma_start3A_352 = tpu.memref_squeeze %dma_start3A_351 : memref<1x128x64xf32, #tpu.memory_space<vmem>> -> memref<128x64xf32, #tpu.memory_space<vmem>>
    %dma_start3A_353 = arith.constant 0 : i32
    %dma_start3A_354 = tpu.memref_slice %arg4[%add3A_347, %dma_start3A_353] : memref<819200x64xf32, #tpu.memory_space<hbm>> -> memref<128x64xf32, #tpu.memory_space<hbm>>
    %dma_start3A_355 = arith.constant 0 : i32
    %dma_start3A_356 = tpu.memref_slice %arg4[%add3A_347, %dma_start3A_355] : memref<819200x64xf32, #tpu.memory_space<hbm>> -> memref<128x64xf32, #tpu.memory_space<hbm>>
    %dma_start3A_357 = arith.constant 0 : i32
    %dma_start3A_358 = arith.constant 0 : i32
    %dma_start3A_359 = tpu.memref_slice %arg6[%dma_start3A_348, %dma_start3A_357, %dma_start3A_358] : memref<10x128x64xf32, #tpu.memory_space<vmem>> -> memref<1x128x64xf32, #tpu.memory_space<vmem>>
    %dma_start3A_360 = tpu.memref_squeeze %dma_start3A_359 : memref<1x128x64xf32, #tpu.memory_space<vmem>> -> memref<128x64xf32, #tpu.memory_space<vmem>>
    tpu.enqueue_dma source(%dma_start3A_360 : memref<128x64xf32, #tpu.memory_space<vmem>>) target(%dma_start3A_356 : memref<128x64xf32, #tpu.memory_space<hbm>>) target_semaphore(%arg10 : memref<!tpu.dma_semaphore, #tpu.memory_space<semaphore_mem>>)
    %add3A_361 = arith.constant 1024 : i32
    %add3A_362 = arith.addi %mul3A_2, %add3A_361 : i32
    %dma_start3A_363 = arith.constant 8 : i32
    %dma_start3A_364 = arith.constant 0 : i32
    %dma_start3A_365 = arith.constant 0 : i32
    %dma_start3A_366 = tpu.memref_slice %arg6[%dma_start3A_363, %dma_start3A_364, %dma_start3A_365] : memref<10x128x64xf32, #tpu.memory_space<vmem>> -> memref<1x128x64xf32, #tpu.memory_space<vmem>>
    %dma_start3A_367 = tpu.memref_squeeze %dma_start3A_366 : memref<1x128x64xf32, #tpu.memory_space<vmem>> -> memref<128x64xf32, #tpu.memory_space<vmem>>
    %dma_start3A_368 = arith.constant 0 : i32
    %dma_start3A_369 = tpu.memref_slice %arg4[%add3A_362, %dma_start3A_368] : memref<819200x64xf32, #tpu.memory_space<hbm>> -> memref<128x64xf32, #tpu.memory_space<hbm>>
    %dma_start3A_370 = arith.constant 0 : i32
    %dma_start3A_371 = tpu.memref_slice %arg4[%add3A_362, %dma_start3A_370] : memref<819200x64xf32, #tpu.memory_space<hbm>> -> memref<128x64xf32, #tpu.memory_space<hbm>>
    %dma_start3A_372 = arith.constant 0 : i32
    %dma_start3A_373 = arith.constant 0 : i32
    %dma_start3A_374 = tpu.memref_slice %arg6[%dma_start3A_363, %dma_start3A_372, %dma_start3A_373] : memref<10x128x64xf32, #tpu.memory_space<vmem>> -> memref<1x128x64xf32, #tpu.memory_space<vmem>>
    %dma_start3A_375 = tpu.memref_squeeze %dma_start3A_374 : memref<1x128x64xf32, #tpu.memory_space<vmem>> -> memref<128x64xf32, #tpu.memory_space<vmem>>
    tpu.enqueue_dma source(%dma_start3A_375 : memref<128x64xf32, #tpu.memory_space<vmem>>) target(%dma_start3A_371 : memref<128x64xf32, #tpu.memory_space<hbm>>) target_semaphore(%arg10 : memref<!tpu.dma_semaphore, #tpu.memory_space<semaphore_mem>>)
    %add3A_376 = arith.constant 1152 : i32
    %add3A_377 = arith.addi %mul3A_2, %add3A_376 : i32
    %dma_start3A_378 = arith.constant 9 : i32
    %dma_start3A_379 = arith.constant 0 : i32
    %dma_start3A_380 = arith.constant 0 : i32
    %dma_start3A_381 = tpu.memref_slice %arg6[%dma_start3A_378, %dma_start3A_379, %dma_start3A_380] : memref<10x128x64xf32, #tpu.memory_space<vmem>> -> memref<1x128x64xf32, #tpu.memory_space<vmem>>
    %dma_start3A_382 = tpu.memref_squeeze %dma_start3A_381 : memref<1x128x64xf32, #tpu.memory_space<vmem>> -> memref<128x64xf32, #tpu.memory_space<vmem>>
    %dma_start3A_383 = arith.constant 0 : i32
    %dma_start3A_384 = tpu.memref_slice %arg4[%add3A_377, %dma_start3A_383] : memref<819200x64xf32, #tpu.memory_space<hbm>> -> memref<128x64xf32, #tpu.memory_space<hbm>>
    %dma_start3A_385 = arith.constant 0 : i32
    %dma_start3A_386 = tpu.memref_slice %arg4[%add3A_377, %dma_start3A_385] : memref<819200x64xf32, #tpu.memory_space<hbm>> -> memref<128x64xf32, #tpu.memory_space<hbm>>
    %dma_start3A_387 = arith.constant 0 : i32
    %dma_start3A_388 = arith.constant 0 : i32
    %dma_start3A_389 = tpu.memref_slice %arg6[%dma_start3A_378, %dma_start3A_387, %dma_start3A_388] : memref<10x128x64xf32, #tpu.memory_space<vmem>> -> memref<1x128x64xf32, #tpu.memory_space<vmem>>
    %dma_start3A_390 = tpu.memref_squeeze %dma_start3A_389 : memref<1x128x64xf32, #tpu.memory_space<vmem>> -> memref<128x64xf32, #tpu.memory_space<vmem>>
    tpu.enqueue_dma source(%dma_start3A_390 : memref<128x64xf32, #tpu.memory_space<vmem>>) target(%dma_start3A_386 : memref<128x64xf32, #tpu.memory_space<hbm>>) target_semaphore(%arg10 : memref<!tpu.dma_semaphore, #tpu.memory_space<semaphore_mem>>)
    %scan3A = arith.constant 0 : i32
    %scan3A_391 = arith.constant 1 : i32
    %scan3A_392 = arith.constant 19 : i32
    %scan3A_393 = arith.addi %scan3A_391, %scan3A_392 : i32
    %scan3A_394 = arith.constant 1 : i32
    scf.for %scan3A_526 = %scan3A_391 to %scan3A_393 step %scan3A_394  : i32 {
      %mul3A_527 = arith.constant 2 : i32
      %mul3A_528 = arith.muli %mul3A_527, %scan3A_526 : i32
      %dma_wait3A_529 = arith.constant 0 : i32
      %dma_wait3A_530 = arith.constant 0 : i32
      %dma_wait3A_531 = arith.constant 0 : i32
      %dma_wait3A_532 = tpu.memref_slice %arg6[%dma_wait3A_529, %dma_wait3A_530, %dma_wait3A_531] : memref<10x128x64xf32, #tpu.memory_space<vmem>> -> memref<1x128x64xf32, #tpu.memory_space<vmem>>
      %dma_wait3A_533 = tpu.memref_squeeze %dma_wait3A_532 : memref<1x128x64xf32, #tpu.memory_space<vmem>> -> memref<128x64xf32, #tpu.memory_space<vmem>>
      %dma_wait3A_534 = arith.constant 0 : i32
      %dma_wait3A_535 = tpu.memref_slice %arg4[%mul3A_2, %dma_wait3A_534] : memref<819200x64xf32, #tpu.memory_space<hbm>> -> memref<128x64xf32, #tpu.memory_space<hbm>>
      %dma_wait3A_536 = arith.constant 0 : i32
      %dma_wait3A_537 = tpu.memref_slice %arg4[%mul3A_2, %dma_wait3A_536] : memref<819200x64xf32, #tpu.memory_space<hbm>> -> memref<128x64xf32, #tpu.memory_space<hbm>>
      %dma_wait3A_538 = arith.constant 0 : i32
      %dma_wait3A_539 = arith.constant 0 : i32
      %dma_wait3A_540 = tpu.memref_slice %arg6[%dma_wait3A_529, %dma_wait3A_538, %dma_wait3A_539] : memref<10x128x64xf32, #tpu.memory_space<vmem>> -> memref<1x128x64xf32, #tpu.memory_space<vmem>>
      %dma_wait3A_541 = tpu.memref_squeeze %dma_wait3A_540 : memref<1x128x64xf32, #tpu.memory_space<vmem>> -> memref<128x64xf32, #tpu.memory_space<vmem>>
      tpu.wait_dma2 semaphore(%arg9 : memref<!tpu.dma_semaphore, #tpu.memory_space<semaphore_mem>>) src(%dma_wait3A_541 : memref<128x64xf32, #tpu.memory_space<vmem>>) dst(%dma_wait3A_537 : memref<128x64xf32, #tpu.memory_space<hbm>>)
      %dma_wait3A_542 = arith.constant 0 : i32
      %dma_wait3A_543 = arith.constant 0 : i32
      %dma_wait3A_544 = arith.constant 0 : i32
      %dma_wait3A_545 = tpu.memref_slice %arg6[%dma_wait3A_542, %dma_wait3A_543, %dma_wait3A_544] : memref<10x128x64xf32, #tpu.memory_space<vmem>> -> memref<1x128x64xf32, #tpu.memory_space<vmem>>
      %dma_wait3A_546 = tpu.memref_squeeze %dma_wait3A_545 : memref<1x128x64xf32, #tpu.memory_space<vmem>> -> memref<128x64xf32, #tpu.memory_space<vmem>>
      %dma_wait3A_547 = arith.constant 0 : i32
      %dma_wait3A_548 = tpu.memref_slice %arg4[%mul3A_2, %dma_wait3A_547] : memref<819200x64xf32, #tpu.memory_space<hbm>> -> memref<128x64xf32, #tpu.memory_space<hbm>>
      %dma_wait3A_549 = arith.constant 0 : i32
      %dma_wait3A_550 = tpu.memref_slice %arg4[%mul3A_2, %dma_wait3A_549] : memref<819200x64xf32, #tpu.memory_space<hbm>> -> memref<128x64xf32, #tpu.memory_space<hbm>>
      %dma_wait3A_551 = arith.constant 0 : i32
      %dma_wait3A_552 = arith.constant 0 : i32
      %dma_wait3A_553 = tpu.memref_slice %arg6[%dma_wait3A_542, %dma_wait3A_551, %dma_wait3A_552] : memref<10x128x64xf32, #tpu.memory_space<vmem>> -> memref<1x128x64xf32, #tpu.memory_space<vmem>>
      %dma_wait3A_554 = tpu.memref_squeeze %dma_wait3A_553 : memref<1x128x64xf32, #tpu.memory_space<vmem>> -> memref<128x64xf32, #tpu.memory_space<vmem>>
      tpu.wait_dma2 semaphore(%arg9 : memref<!tpu.dma_semaphore, #tpu.memory_space<semaphore_mem>>) src(%dma_wait3A_554 : memref<128x64xf32, #tpu.memory_space<vmem>>) dst(%dma_wait3A_550 : memref<128x64xf32, #tpu.memory_space<hbm>>)
      %dma_wait3A_555 = arith.constant 0 : i32
      %dma_wait3A_556 = arith.constant 0 : i32
      %dma_wait3A_557 = arith.constant 0 : i32
      %dma_wait3A_558 = tpu.memref_slice %arg6[%dma_wait3A_555, %dma_wait3A_556, %dma_wait3A_557] : memref<10x128x64xf32, #tpu.memory_space<vmem>> -> memref<1x128x64xf32, #tpu.memory_space<vmem>>
      %dma_wait3A_559 = tpu.memref_squeeze %dma_wait3A_558 : memref<1x128x64xf32, #tpu.memory_space<vmem>> -> memref<128x64xf32, #tpu.memory_space<vmem>>
      %dma_wait3A_560 = arith.constant 0 : i32
      %dma_wait3A_561 = tpu.memref_slice %arg4[%mul3A_2, %dma_wait3A_560] : memref<819200x64xf32, #tpu.memory_space<hbm>> -> memref<128x64xf32, #tpu.memory_space<hbm>>
      %dma_wait3A_562 = arith.constant 0 : i32
      %dma_wait3A_563 = tpu.memref_slice %arg4[%mul3A_2, %dma_wait3A_562] : memref<819200x64xf32, #tpu.memory_space<hbm>> -> memref<128x64xf32, #tpu.memory_space<hbm>>
      %dma_wait3A_564 = arith.constant 0 : i32
      %dma_wait3A_565 = arith.constant 0 : i32
      %dma_wait3A_566 = tpu.memref_slice %arg6[%dma_wait3A_555, %dma_wait3A_564, %dma_wait3A_565] : memref<10x128x64xf32, #tpu.memory_space<vmem>> -> memref<1x128x64xf32, #tpu.memory_space<vmem>>
      %dma_wait3A_567 = tpu.memref_squeeze %dma_wait3A_566 : memref<1x128x64xf32, #tpu.memory_space<vmem>> -> memref<128x64xf32, #tpu.memory_space<vmem>>
      tpu.wait_dma2 semaphore(%arg9 : memref<!tpu.dma_semaphore, #tpu.memory_space<semaphore_mem>>) src(%dma_wait3A_567 : memref<128x64xf32, #tpu.memory_space<vmem>>) dst(%dma_wait3A_563 : memref<128x64xf32, #tpu.memory_space<hbm>>)
      %dma_wait3A_568 = arith.constant 0 : i32
      %dma_wait3A_569 = arith.constant 0 : i32
      %dma_wait3A_570 = arith.constant 0 : i32
      %dma_wait3A_571 = tpu.memref_slice %arg6[%dma_wait3A_568, %dma_wait3A_569, %dma_wait3A_570] : memref<10x128x64xf32, #tpu.memory_space<vmem>> -> memref<1x128x64xf32, #tpu.memory_space<vmem>>
      %dma_wait3A_572 = tpu.memref_squeeze %dma_wait3A_571 : memref<1x128x64xf32, #tpu.memory_space<vmem>> -> memref<128x64xf32, #tpu.memory_space<vmem>>
      %dma_wait3A_573 = arith.constant 0 : i32
      %dma_wait3A_574 = tpu.memref_slice %arg4[%mul3A_2, %dma_wait3A_573] : memref<819200x64xf32, #tpu.memory_space<hbm>> -> memref<128x64xf32, #tpu.memory_space<hbm>>
      %dma_wait3A_575 = arith.constant 0 : i32
      %dma_wait3A_576 = tpu.memref_slice %arg4[%mul3A_2, %dma_wait3A_575] : memref<819200x64xf32, #tpu.memory_space<hbm>> -> memref<128x64xf32, #tpu.memory_space<hbm>>
      %dma_wait3A_577 = arith.constant 0 : i32
      %dma_wait3A_578 = arith.constant 0 : i32
      %dma_wait3A_579 = tpu.memref_slice %arg6[%dma_wait3A_568, %dma_wait3A_577, %dma_wait3A_578] : memref<10x128x64xf32, #tpu.memory_space<vmem>> -> memref<1x128x64xf32, #tpu.memory_space<vmem>>
      %dma_wait3A_580 = tpu.memref_squeeze %dma_wait3A_579 : memref<1x128x64xf32, #tpu.memory_space<vmem>> -> memref<128x64xf32, #tpu.memory_space<vmem>>
      tpu.wait_dma2 semaphore(%arg9 : memref<!tpu.dma_semaphore, #tpu.memory_space<semaphore_mem>>) src(%dma_wait3A_580 : memref<128x64xf32, #tpu.memory_space<vmem>>) dst(%dma_wait3A_576 : memref<128x64xf32, #tpu.memory_space<hbm>>)
      %dma_wait3A_581 = arith.constant 0 : i32
      %dma_wait3A_582 = arith.constant 0 : i32
      %dma_wait3A_583 = arith.constant 0 : i32
      %dma_wait3A_584 = tpu.memref_slice %arg6[%dma_wait3A_581, %dma_wait3A_582, %dma_wait3A_583] : memref<10x128x64xf32, #tpu.memory_space<vmem>> -> memref<1x128x64xf32, #tpu.memory_space<vmem>>
      %dma_wait3A_585 = tpu.memref_squeeze %dma_wait3A_584 : memref<1x128x64xf32, #tpu.memory_space<vmem>> -> memref<128x64xf32, #tpu.memory_space<vmem>>
      %dma_wait3A_586 = arith.constant 0 : i32
      %dma_wait3A_587 = tpu.memref_slice %arg4[%mul3A_2, %dma_wait3A_586] : memref<819200x64xf32, #tpu.memory_space<hbm>> -> memref<128x64xf32, #tpu.memory_space<hbm>>
      %dma_wait3A_588 = arith.constant 0 : i32
      %dma_wait3A_589 = tpu.memref_slice %arg4[%mul3A_2, %dma_wait3A_588] : memref<819200x64xf32, #tpu.memory_space<hbm>> -> memref<128x64xf32, #tpu.memory_space<hbm>>
      %dma_wait3A_590 = arith.constant 0 : i32
      %dma_wait3A_591 = arith.constant 0 : i32
      %dma_wait3A_592 = tpu.memref_slice %arg6[%dma_wait3A_581, %dma_wait3A_590, %dma_wait3A_591] : memref<10x128x64xf32, #tpu.memory_space<vmem>> -> memref<1x128x64xf32, #tpu.memory_space<vmem>>
      %dma_wait3A_593 = tpu.memref_squeeze %dma_wait3A_592 : memref<1x128x64xf32, #tpu.memory_space<vmem>> -> memref<128x64xf32, #tpu.memory_space<vmem>>
      tpu.wait_dma2 semaphore(%arg9 : memref<!tpu.dma_semaphore, #tpu.memory_space<semaphore_mem>>) src(%dma_wait3A_593 : memref<128x64xf32, #tpu.memory_space<vmem>>) dst(%dma_wait3A_589 : memref<128x64xf32, #tpu.memory_space<hbm>>)
      %mul3A_594 = arith.constant 5 : i32
      %mul3A_595 = arith.muli %mul3A_528, %mul3A_594 : i32
      %add3A_596 = arith.constant 0 : i32
      %add3A_597 = arith.addi %mul3A_595, %add3A_596 : i32
      %dma_start3A_598 = arith.constant 0 : i32
      %dma_start3A_599 = arith.constant 0 : i32
      %dma_start3A_600 = arith.constant 0 : i32
      %dma_start3A_601 = tpu.memref_slice %arg6[%dma_start3A_598, %dma_start3A_599, %dma_start3A_600] : memref<10x128x64xf32, #tpu.memory_space<vmem>> -> memref<1x128x64xf32, #tpu.memory_space<vmem>>
      %dma_start3A_602 = tpu.memref_squeeze %dma_start3A_601 : memref<1x128x64xf32, #tpu.memory_space<vmem>> -> memref<128x64xf32, #tpu.memory_space<vmem>>
      %dma_start3A_603 = arith.constant 0 : i32
      %dma_start3A_604 = tpu.memref_slice %arg5[%add3A_597, %dma_start3A_603] : memref<200x128xi32, #tpu.memory_space<vmem>> -> memref<1x128xi32, #tpu.memory_space<vmem>>
      %dma_start3A_605 = tpu.memref_squeeze %dma_start3A_604 : memref<1x128xi32, #tpu.memory_space<vmem>> -> memref<128xi32, #tpu.memory_space<vmem>>
      %dma_start3A_606 = arith.constant 0 : i32
      %dma_start3A_607 = arith.constant 0 : i32
      %dma_start3A_608 = tpu.memref_slice %arg3[%dma_start3A_606, %dma_start3A_607] : memref<1000000x64xf32, #tpu.memory_space<hbm>> -> memref<1000000x64xf32, #tpu.memory_space<hbm>>
      tpu.enqueue_indirect_dma source(%dma_start3A_608 : memref<1000000x64xf32, #tpu.memory_space<hbm>>) target(%dma_start3A_602 : memref<128x64xf32, #tpu.memory_space<vmem>>) offsets(%dma_start3A_605 : memref<128xi32, #tpu.memory_space<vmem>>) semaphore(%arg7 : memref<!tpu.dma_semaphore, #tpu.memory_space<semaphore_mem>>)
      %mul3A_609 = arith.constant 5 : i32
      %mul3A_610 = arith.muli %mul3A_528, %mul3A_609 : i32
      %add3A_611 = arith.constant 1 : i32
      %add3A_612 = arith.addi %mul3A_610, %add3A_611 : i32
      %dma_start3A_613 = arith.constant 1 : i32
      %dma_start3A_614 = arith.constant 0 : i32
      %dma_start3A_615 = arith.constant 0 : i32
      %dma_start3A_616 = tpu.memref_slice %arg6[%dma_start3A_613, %dma_start3A_614, %dma_start3A_615] : memref<10x128x64xf32, #tpu.memory_space<vmem>> -> memref<1x128x64xf32, #tpu.memory_space<vmem>>
      %dma_start3A_617 = tpu.memref_squeeze %dma_start3A_616 : memref<1x128x64xf32, #tpu.memory_space<vmem>> -> memref<128x64xf32, #tpu.memory_space<vmem>>
      %dma_start3A_618 = arith.constant 0 : i32
      %dma_start3A_619 = tpu.memref_slice %arg5[%add3A_612, %dma_start3A_618] : memref<200x128xi32, #tpu.memory_space<vmem>> -> memref<1x128xi32, #tpu.memory_space<vmem>>
      %dma_start3A_620 = tpu.memref_squeeze %dma_start3A_619 : memref<1x128xi32, #tpu.memory_space<vmem>> -> memref<128xi32, #tpu.memory_space<vmem>>
      %dma_start3A_621 = arith.constant 0 : i32
      %dma_start3A_622 = arith.constant 0 : i32
      %dma_start3A_623 = tpu.memref_slice %arg3[%dma_start3A_621, %dma_start3A_622] : memref<1000000x64xf32, #tpu.memory_space<hbm>> -> memref<1000000x64xf32, #tpu.memory_space<hbm>>
      tpu.enqueue_indirect_dma source(%dma_start3A_623 : memref<1000000x64xf32, #tpu.memory_space<hbm>>) target(%dma_start3A_617 : memref<128x64xf32, #tpu.memory_space<vmem>>) offsets(%dma_start3A_620 : memref<128xi32, #tpu.memory_space<vmem>>) semaphore(%arg7 : memref<!tpu.dma_semaphore, #tpu.memory_space<semaphore_mem>>)
      %mul3A_624 = arith.constant 5 : i32
      %mul3A_625 = arith.muli %mul3A_528, %mul3A_624 : i32
      %add3A_626 = arith.constant 2 : i32
      %add3A_627 = arith.addi %mul3A_625, %add3A_626 : i32
      %dma_start3A_628 = arith.constant 2 : i32
      %dma_start3A_629 = arith.constant 0 : i32
      %dma_start3A_630 = arith.constant 0 : i32
      %dma_start3A_631 = tpu.memref_slice %arg6[%dma_start3A_628, %dma_start3A_629, %dma_start3A_630] : memref<10x128x64xf32, #tpu.memory_space<vmem>> -> memref<1x128x64xf32, #tpu.memory_space<vmem>>
      %dma_start3A_632 = tpu.memref_squeeze %dma_start3A_631 : memref<1x128x64xf32, #tpu.memory_space<vmem>> -> memref<128x64xf32, #tpu.memory_space<vmem>>
      %dma_start3A_633 = arith.constant 0 : i32
      %dma_start3A_634 = tpu.memref_slice %arg5[%add3A_627, %dma_start3A_633] : memref<200x128xi32, #tpu.memory_space<vmem>> -> memref<1x128xi32, #tpu.memory_space<vmem>>
      %dma_start3A_635 = tpu.memref_squeeze %dma_start3A_634 : memref<1x128xi32, #tpu.memory_space<vmem>> -> memref<128xi32, #tpu.memory_space<vmem>>
      %dma_start3A_636 = arith.constant 0 : i32
      %dma_start3A_637 = arith.constant 0 : i32
      %dma_start3A_638 = tpu.memref_slice %arg3[%dma_start3A_636, %dma_start3A_637] : memref<1000000x64xf32, #tpu.memory_space<hbm>> -> memref<1000000x64xf32, #tpu.memory_space<hbm>>
      tpu.enqueue_indirect_dma source(%dma_start3A_638 : memref<1000000x64xf32, #tpu.memory_space<hbm>>) target(%dma_start3A_632 : memref<128x64xf32, #tpu.memory_space<vmem>>) offsets(%dma_start3A_635 : memref<128xi32, #tpu.memory_space<vmem>>) semaphore(%arg7 : memref<!tpu.dma_semaphore, #tpu.memory_space<semaphore_mem>>)
      %mul3A_639 = arith.constant 5 : i32
      %mul3A_640 = arith.muli %mul3A_528, %mul3A_639 : i32
      %add3A_641 = arith.constant 3 : i32
      %add3A_642 = arith.addi %mul3A_640, %add3A_641 : i32
      %dma_start3A_643 = arith.constant 3 : i32
      %dma_start3A_644 = arith.constant 0 : i32
      %dma_start3A_645 = arith.constant 0 : i32
      %dma_start3A_646 = tpu.memref_slice %arg6[%dma_start3A_643, %dma_start3A_644, %dma_start3A_645] : memref<10x128x64xf32, #tpu.memory_space<vmem>> -> memref<1x128x64xf32, #tpu.memory_space<vmem>>
      %dma_start3A_647 = tpu.memref_squeeze %dma_start3A_646 : memref<1x128x64xf32, #tpu.memory_space<vmem>> -> memref<128x64xf32, #tpu.memory_space<vmem>>
      %dma_start3A_648 = arith.constant 0 : i32
      %dma_start3A_649 = tpu.memref_slice %arg5[%add3A_642, %dma_start3A_648] : memref<200x128xi32, #tpu.memory_space<vmem>> -> memref<1x128xi32, #tpu.memory_space<vmem>>
      %dma_start3A_650 = tpu.memref_squeeze %dma_start3A_649 : memref<1x128xi32, #tpu.memory_space<vmem>> -> memref<128xi32, #tpu.memory_space<vmem>>
      %dma_start3A_651 = arith.constant 0 : i32
      %dma_start3A_652 = arith.constant 0 : i32
      %dma_start3A_653 = tpu.memref_slice %arg3[%dma_start3A_651, %dma_start3A_652] : memref<1000000x64xf32, #tpu.memory_space<hbm>> -> memref<1000000x64xf32, #tpu.memory_space<hbm>>
      tpu.enqueue_indirect_dma source(%dma_start3A_653 : memref<1000000x64xf32, #tpu.memory_space<hbm>>) target(%dma_start3A_647 : memref<128x64xf32, #tpu.memory_space<vmem>>) offsets(%dma_start3A_650 : memref<128xi32, #tpu.memory_space<vmem>>) semaphore(%arg7 : memref<!tpu.dma_semaphore, #tpu.memory_space<semaphore_mem>>)
      %mul3A_654 = arith.constant 5 : i32
      %mul3A_655 = arith.muli %mul3A_528, %mul3A_654 : i32
      %add3A_656 = arith.constant 4 : i32
      %add3A_657 = arith.addi %mul3A_655, %add3A_656 : i32
      %dma_start3A_658 = arith.constant 4 : i32
      %dma_start3A_659 = arith.constant 0 : i32
      %dma_start3A_660 = arith.constant 0 : i32
      %dma_start3A_661 = tpu.memref_slice %arg6[%dma_start3A_658, %dma_start3A_659, %dma_start3A_660] : memref<10x128x64xf32, #tpu.memory_space<vmem>> -> memref<1x128x64xf32, #tpu.memory_space<vmem>>
      %dma_start3A_662 = tpu.memref_squeeze %dma_start3A_661 : memref<1x128x64xf32, #tpu.memory_space<vmem>> -> memref<128x64xf32, #tpu.memory_space<vmem>>
      %dma_start3A_663 = arith.constant 0 : i32
      %dma_start3A_664 = tpu.memref_slice %arg5[%add3A_657, %dma_start3A_663] : memref<200x128xi32, #tpu.memory_space<vmem>> -> memref<1x128xi32, #tpu.memory_space<vmem>>
      %dma_start3A_665 = tpu.memref_squeeze %dma_start3A_664 : memref<1x128xi32, #tpu.memory_space<vmem>> -> memref<128xi32, #tpu.memory_space<vmem>>
      %dma_start3A_666 = arith.constant 0 : i32
      %dma_start3A_667 = arith.constant 0 : i32
      %dma_start3A_668 = tpu.memref_slice %arg3[%dma_start3A_666, %dma_start3A_667] : memref<1000000x64xf32, #tpu.memory_space<hbm>> -> memref<1000000x64xf32, #tpu.memory_space<hbm>>
      tpu.enqueue_indirect_dma source(%dma_start3A_668 : memref<1000000x64xf32, #tpu.memory_space<hbm>>) target(%dma_start3A_662 : memref<128x64xf32, #tpu.memory_space<vmem>>) offsets(%dma_start3A_665 : memref<128xi32, #tpu.memory_space<vmem>>) semaphore(%arg7 : memref<!tpu.dma_semaphore, #tpu.memory_space<semaphore_mem>>)
      %dma_wait3A_669 = arith.constant 0 : i32
      %dma_wait3A_670 = arith.constant 0 : i32
      %dma_wait3A_671 = arith.constant 0 : i32
      %dma_wait3A_672 = tpu.memref_slice %arg6[%dma_wait3A_669, %dma_wait3A_670, %dma_wait3A_671] : memref<10x128x64xf32, #tpu.memory_space<vmem>> -> memref<1x128x64xf32, #tpu.memory_space<vmem>>
      %dma_wait3A_673 = tpu.memref_squeeze %dma_wait3A_672 : memref<1x128x64xf32, #tpu.memory_space<vmem>> -> memref<128x64xf32, #tpu.memory_space<vmem>>
      %dma_wait3A_674 = arith.constant 0 : i32
      %dma_wait3A_675 = tpu.memref_slice %arg4[%mul3A_2, %dma_wait3A_674] : memref<819200x64xf32, #tpu.memory_space<hbm>> -> memref<128x64xf32, #tpu.memory_space<hbm>>
      %dma_wait3A_676 = arith.constant 0 : i32
      %dma_wait3A_677 = tpu.memref_slice %arg4[%mul3A_2, %dma_wait3A_676] : memref<819200x64xf32, #tpu.memory_space<hbm>> -> memref<128x64xf32, #tpu.memory_space<hbm>>
      %dma_wait3A_678 = arith.constant 0 : i32
      %dma_wait3A_679 = arith.constant 0 : i32
      %dma_wait3A_680 = tpu.memref_slice %arg6[%dma_wait3A_669, %dma_wait3A_678, %dma_wait3A_679] : memref<10x128x64xf32, #tpu.memory_space<vmem>> -> memref<1x128x64xf32, #tpu.memory_space<vmem>>
      %dma_wait3A_681 = tpu.memref_squeeze %dma_wait3A_680 : memref<1x128x64xf32, #tpu.memory_space<vmem>> -> memref<128x64xf32, #tpu.memory_space<vmem>>
      tpu.wait_dma2 semaphore(%arg10 : memref<!tpu.dma_semaphore, #tpu.memory_space<semaphore_mem>>) src(%dma_wait3A_681 : memref<128x64xf32, #tpu.memory_space<vmem>>) dst(%dma_wait3A_677 : memref<128x64xf32, #tpu.memory_space<hbm>>)
      %dma_wait3A_682 = arith.constant 0 : i32
      %dma_wait3A_683 = arith.constant 0 : i32
      %dma_wait3A_684 = arith.constant 0 : i32
      %dma_wait3A_685 = tpu.memref_slice %arg6[%dma_wait3A_682, %dma_wait3A_683, %dma_wait3A_684] : memref<10x128x64xf32, #tpu.memory_space<vmem>> -> memref<1x128x64xf32, #tpu.memory_space<vmem>>
      %dma_wait3A_686 = tpu.memref_squeeze %dma_wait3A_685 : memref<1x128x64xf32, #tpu.memory_space<vmem>> -> memref<128x64xf32, #tpu.memory_space<vmem>>
      %dma_wait3A_687 = arith.constant 0 : i32
      %dma_wait3A_688 = tpu.memref_slice %arg4[%mul3A_2, %dma_wait3A_687] : memref<819200x64xf32, #tpu.memory_space<hbm>> -> memref<128x64xf32, #tpu.memory_space<hbm>>
      %dma_wait3A_689 = arith.constant 0 : i32
      %dma_wait3A_690 = tpu.memref_slice %arg4[%mul3A_2, %dma_wait3A_689] : memref<819200x64xf32, #tpu.memory_space<hbm>> -> memref<128x64xf32, #tpu.memory_space<hbm>>
      %dma_wait3A_691 = arith.constant 0 : i32
      %dma_wait3A_692 = arith.constant 0 : i32
      %dma_wait3A_693 = tpu.memref_slice %arg6[%dma_wait3A_682, %dma_wait3A_691, %dma_wait3A_692] : memref<10x128x64xf32, #tpu.memory_space<vmem>> -> memref<1x128x64xf32, #tpu.memory_space<vmem>>
      %dma_wait3A_694 = tpu.memref_squeeze %dma_wait3A_693 : memref<1x128x64xf32, #tpu.memory_space<vmem>> -> memref<128x64xf32, #tpu.memory_space<vmem>>
      tpu.wait_dma2 semaphore(%arg10 : memref<!tpu.dma_semaphore, #tpu.memory_space<semaphore_mem>>) src(%dma_wait3A_694 : memref<128x64xf32, #tpu.memory_space<vmem>>) dst(%dma_wait3A_690 : memref<128x64xf32, #tpu.memory_space<hbm>>)
      %dma_wait3A_695 = arith.constant 0 : i32
      %dma_wait3A_696 = arith.constant 0 : i32
      %dma_wait3A_697 = arith.constant 0 : i32
      %dma_wait3A_698 = tpu.memref_slice %arg6[%dma_wait3A_695, %dma_wait3A_696, %dma_wait3A_697] : memref<10x128x64xf32, #tpu.memory_space<vmem>> -> memref<1x128x64xf32, #tpu.memory_space<vmem>>
      %dma_wait3A_699 = tpu.memref_squeeze %dma_wait3A_698 : memref<1x128x64xf32, #tpu.memory_space<vmem>> -> memref<128x64xf32, #tpu.memory_space<vmem>>
      %dma_wait3A_700 = arith.constant 0 : i32
      %dma_wait3A_701 = tpu.memref_slice %arg4[%mul3A_2, %dma_wait3A_700] : memref<819200x64xf32, #tpu.memory_space<hbm>> -> memref<128x64xf32, #tpu.memory_space<hbm>>
      %dma_wait3A_702 = arith.constant 0 : i32
      %dma_wait3A_703 = tpu.memref_slice %arg4[%mul3A_2, %dma_wait3A_702] : memref<819200x64xf32, #tpu.memory_space<hbm>> -> memref<128x64xf32, #tpu.memory_space<hbm>>
      %dma_wait3A_704 = arith.constant 0 : i32
      %dma_wait3A_705 = arith.constant 0 : i32
      %dma_wait3A_706 = tpu.memref_slice %arg6[%dma_wait3A_695, %dma_wait3A_704, %dma_wait3A_705] : memref<10x128x64xf32, #tpu.memory_space<vmem>> -> memref<1x128x64xf32, #tpu.memory_space<vmem>>
      %dma_wait3A_707 = tpu.memref_squeeze %dma_wait3A_706 : memref<1x128x64xf32, #tpu.memory_space<vmem>> -> memref<128x64xf32, #tpu.memory_space<vmem>>
      tpu.wait_dma2 semaphore(%arg10 : memref<!tpu.dma_semaphore, #tpu.memory_space<semaphore_mem>>) src(%dma_wait3A_707 : memref<128x64xf32, #tpu.memory_space<vmem>>) dst(%dma_wait3A_703 : memref<128x64xf32, #tpu.memory_space<hbm>>)
      %dma_wait3A_708 = arith.constant 0 : i32
      %dma_wait3A_709 = arith.constant 0 : i32
      %dma_wait3A_710 = arith.constant 0 : i32
      %dma_wait3A_711 = tpu.memref_slice %arg6[%dma_wait3A_708, %dma_wait3A_709, %dma_wait3A_710] : memref<10x128x64xf32, #tpu.memory_space<vmem>> -> memref<1x128x64xf32, #tpu.memory_space<vmem>>
      %dma_wait3A_712 = tpu.memref_squeeze %dma_wait3A_711 : memref<1x128x64xf32, #tpu.memory_space<vmem>> -> memref<128x64xf32, #tpu.memory_space<vmem>>
      %dma_wait3A_713 = arith.constant 0 : i32
      %dma_wait3A_714 = tpu.memref_slice %arg4[%mul3A_2, %dma_wait3A_713] : memref<819200x64xf32, #tpu.memory_space<hbm>> -> memref<128x64xf32, #tpu.memory_space<hbm>>
      %dma_wait3A_715 = arith.constant 0 : i32
      %dma_wait3A_716 = tpu.memref_slice %arg4[%mul3A_2, %dma_wait3A_715] : memref<819200x64xf32, #tpu.memory_space<hbm>> -> memref<128x64xf32, #tpu.memory_space<hbm>>
      %dma_wait3A_717 = arith.constant 0 : i32
      %dma_wait3A_718 = arith.constant 0 : i32
      %dma_wait3A_719 = tpu.memref_slice %arg6[%dma_wait3A_708, %dma_wait3A_717, %dma_wait3A_718] : memref<10x128x64xf32, #tpu.memory_space<vmem>> -> memref<1x128x64xf32, #tpu.memory_space<vmem>>
      %dma_wait3A_720 = tpu.memref_squeeze %dma_wait3A_719 : memref<1x128x64xf32, #tpu.memory_space<vmem>> -> memref<128x64xf32, #tpu.memory_space<vmem>>
      tpu.wait_dma2 semaphore(%arg10 : memref<!tpu.dma_semaphore, #tpu.memory_space<semaphore_mem>>) src(%dma_wait3A_720 : memref<128x64xf32, #tpu.memory_space<vmem>>) dst(%dma_wait3A_716 : memref<128x64xf32, #tpu.memory_space<hbm>>)
      %dma_wait3A_721 = arith.constant 0 : i32
      %dma_wait3A_722 = arith.constant 0 : i32
      %dma_wait3A_723 = arith.constant 0 : i32
      %dma_wait3A_724 = tpu.memref_slice %arg6[%dma_wait3A_721, %dma_wait3A_722, %dma_wait3A_723] : memref<10x128x64xf32, #tpu.memory_space<vmem>> -> memref<1x128x64xf32, #tpu.memory_space<vmem>>
      %dma_wait3A_725 = tpu.memref_squeeze %dma_wait3A_724 : memref<1x128x64xf32, #tpu.memory_space<vmem>> -> memref<128x64xf32, #tpu.memory_space<vmem>>
      %dma_wait3A_726 = arith.constant 0 : i32
      %dma_wait3A_727 = tpu.memref_slice %arg4[%mul3A_2, %dma_wait3A_726] : memref<819200x64xf32, #tpu.memory_space<hbm>> -> memref<128x64xf32, #tpu.memory_space<hbm>>
      %dma_wait3A_728 = arith.constant 0 : i32
      %dma_wait3A_729 = tpu.memref_slice %arg4[%mul3A_2, %dma_wait3A_728] : memref<819200x64xf32, #tpu.memory_space<hbm>> -> memref<128x64xf32, #tpu.memory_space<hbm>>
      %dma_wait3A_730 = arith.constant 0 : i32
      %dma_wait3A_731 = arith.constant 0 : i32
      %dma_wait3A_732 = tpu.memref_slice %arg6[%dma_wait3A_721, %dma_wait3A_730, %dma_wait3A_731] : memref<10x128x64xf32, #tpu.memory_space<vmem>> -> memref<1x128x64xf32, #tpu.memory_space<vmem>>
      %dma_wait3A_733 = tpu.memref_squeeze %dma_wait3A_732 : memref<1x128x64xf32, #tpu.memory_space<vmem>> -> memref<128x64xf32, #tpu.memory_space<vmem>>
      tpu.wait_dma2 semaphore(%arg10 : memref<!tpu.dma_semaphore, #tpu.memory_space<semaphore_mem>>) src(%dma_wait3A_733 : memref<128x64xf32, #tpu.memory_space<vmem>>) dst(%dma_wait3A_729 : memref<128x64xf32, #tpu.memory_space<hbm>>)
      %add3A_734 = arith.constant 1 : i32
      %add3A_735 = arith.addi %mul3A_528, %add3A_734 : i32
      %mul3A_736 = arith.constant 5 : i32
      %mul3A_737 = arith.muli %add3A_735, %mul3A_736 : i32
      %add3A_738 = arith.constant 0 : i32
      %add3A_739 = arith.addi %mul3A_737, %add3A_738 : i32
      %dma_start3A_740 = arith.constant 5 : i32
      %dma_start3A_741 = arith.constant 0 : i32
      %dma_start3A_742 = arith.constant 0 : i32
      %dma_start3A_743 = tpu.memref_slice %arg6[%dma_start3A_740, %dma_start3A_741, %dma_start3A_742] : memref<10x128x64xf32, #tpu.memory_space<vmem>> -> memref<1x128x64xf32, #tpu.memory_space<vmem>>
      %dma_start3A_744 = tpu.memref_squeeze %dma_start3A_743 : memref<1x128x64xf32, #tpu.memory_space<vmem>> -> memref<128x64xf32, #tpu.memory_space<vmem>>
      %dma_start3A_745 = arith.constant 0 : i32
      %dma_start3A_746 = tpu.memref_slice %arg5[%add3A_739, %dma_start3A_745] : memref<200x128xi32, #tpu.memory_space<vmem>> -> memref<1x128xi32, #tpu.memory_space<vmem>>
      %dma_start3A_747 = tpu.memref_squeeze %dma_start3A_746 : memref<1x128xi32, #tpu.memory_space<vmem>> -> memref<128xi32, #tpu.memory_space<vmem>>
      %dma_start3A_748 = arith.constant 0 : i32
      %dma_start3A_749 = arith.constant 0 : i32
      %dma_start3A_750 = tpu.memref_slice %arg3[%dma_start3A_748, %dma_start3A_749] : memref<1000000x64xf32, #tpu.memory_space<hbm>> -> memref<1000000x64xf32, #tpu.memory_space<hbm>>
      tpu.enqueue_indirect_dma source(%dma_start3A_750 : memref<1000000x64xf32, #tpu.memory_space<hbm>>) target(%dma_start3A_744 : memref<128x64xf32, #tpu.memory_space<vmem>>) offsets(%dma_start3A_747 : memref<128xi32, #tpu.memory_space<vmem>>) semaphore(%arg8 : memref<!tpu.dma_semaphore, #tpu.memory_space<semaphore_mem>>)
      %mul3A_751 = arith.constant 5 : i32
      %mul3A_752 = arith.muli %add3A_735, %mul3A_751 : i32
      %add3A_753 = arith.constant 1 : i32
      %add3A_754 = arith.addi %mul3A_752, %add3A_753 : i32
      %dma_start3A_755 = arith.constant 6 : i32
      %dma_start3A_756 = arith.constant 0 : i32
      %dma_start3A_757 = arith.constant 0 : i32
      %dma_start3A_758 = tpu.memref_slice %arg6[%dma_start3A_755, %dma_start3A_756, %dma_start3A_757] : memref<10x128x64xf32, #tpu.memory_space<vmem>> -> memref<1x128x64xf32, #tpu.memory_space<vmem>>
      %dma_start3A_759 = tpu.memref_squeeze %dma_start3A_758 : memref<1x128x64xf32, #tpu.memory_space<vmem>> -> memref<128x64xf32, #tpu.memory_space<vmem>>
      %dma_start3A_760 = arith.constant 0 : i32
      %dma_start3A_761 = tpu.memref_slice %arg5[%add3A_754, %dma_start3A_760] : memref<200x128xi32, #tpu.memory_space<vmem>> -> memref<1x128xi32, #tpu.memory_space<vmem>>
      %dma_start3A_762 = tpu.memref_squeeze %dma_start3A_761 : memref<1x128xi32, #tpu.memory_space<vmem>> -> memref<128xi32, #tpu.memory_space<vmem>>
      %dma_start3A_763 = arith.constant 0 : i32
      %dma_start3A_764 = arith.constant 0 : i32
      %dma_start3A_765 = tpu.memref_slice %arg3[%dma_start3A_763, %dma_start3A_764] : memref<1000000x64xf32, #tpu.memory_space<hbm>> -> memref<1000000x64xf32, #tpu.memory_space<hbm>>
      tpu.enqueue_indirect_dma source(%dma_start3A_765 : memref<1000000x64xf32, #tpu.memory_space<hbm>>) target(%dma_start3A_759 : memref<128x64xf32, #tpu.memory_space<vmem>>) offsets(%dma_start3A_762 : memref<128xi32, #tpu.memory_space<vmem>>) semaphore(%arg8 : memref<!tpu.dma_semaphore, #tpu.memory_space<semaphore_mem>>)
      %mul3A_766 = arith.constant 5 : i32
      %mul3A_767 = arith.muli %add3A_735, %mul3A_766 : i32
      %add3A_768 = arith.constant 2 : i32
      %add3A_769 = arith.addi %mul3A_767, %add3A_768 : i32
      %dma_start3A_770 = arith.constant 7 : i32
      %dma_start3A_771 = arith.constant 0 : i32
      %dma_start3A_772 = arith.constant 0 : i32
      %dma_start3A_773 = tpu.memref_slice %arg6[%dma_start3A_770, %dma_start3A_771, %dma_start3A_772] : memref<10x128x64xf32, #tpu.memory_space<vmem>> -> memref<1x128x64xf32, #tpu.memory_space<vmem>>
      %dma_start3A_774 = tpu.memref_squeeze %dma_start3A_773 : memref<1x128x64xf32, #tpu.memory_space<vmem>> -> memref<128x64xf32, #tpu.memory_space<vmem>>
      %dma_start3A_775 = arith.constant 0 : i32
      %dma_start3A_776 = tpu.memref_slice %arg5[%add3A_769, %dma_start3A_775] : memref<200x128xi32, #tpu.memory_space<vmem>> -> memref<1x128xi32, #tpu.memory_space<vmem>>
      %dma_start3A_777 = tpu.memref_squeeze %dma_start3A_776 : memref<1x128xi32, #tpu.memory_space<vmem>> -> memref<128xi32, #tpu.memory_space<vmem>>
      %dma_start3A_778 = arith.constant 0 : i32
      %dma_start3A_779 = arith.constant 0 : i32
      %dma_start3A_780 = tpu.memref_slice %arg3[%dma_start3A_778, %dma_start3A_779] : memref<1000000x64xf32, #tpu.memory_space<hbm>> -> memref<1000000x64xf32, #tpu.memory_space<hbm>>
      tpu.enqueue_indirect_dma source(%dma_start3A_780 : memref<1000000x64xf32, #tpu.memory_space<hbm>>) target(%dma_start3A_774 : memref<128x64xf32, #tpu.memory_space<vmem>>) offsets(%dma_start3A_777 : memref<128xi32, #tpu.memory_space<vmem>>) semaphore(%arg8 : memref<!tpu.dma_semaphore, #tpu.memory_space<semaphore_mem>>)
      %mul3A_781 = arith.constant 5 : i32
      %mul3A_782 = arith.muli %add3A_735, %mul3A_781 : i32
      %add3A_783 = arith.constant 3 : i32
      %add3A_784 = arith.addi %mul3A_782, %add3A_783 : i32
      %dma_start3A_785 = arith.constant 8 : i32
      %dma_start3A_786 = arith.constant 0 : i32
      %dma_start3A_787 = arith.constant 0 : i32
      %dma_start3A_788 = tpu.memref_slice %arg6[%dma_start3A_785, %dma_start3A_786, %dma_start3A_787] : memref<10x128x64xf32, #tpu.memory_space<vmem>> -> memref<1x128x64xf32, #tpu.memory_space<vmem>>
      %dma_start3A_789 = tpu.memref_squeeze %dma_start3A_788 : memref<1x128x64xf32, #tpu.memory_space<vmem>> -> memref<128x64xf32, #tpu.memory_space<vmem>>
      %dma_start3A_790 = arith.constant 0 : i32
      %dma_start3A_791 = tpu.memref_slice %arg5[%add3A_784, %dma_start3A_790] : memref<200x128xi32, #tpu.memory_space<vmem>> -> memref<1x128xi32, #tpu.memory_space<vmem>>
      %dma_start3A_792 = tpu.memref_squeeze %dma_start3A_791 : memref<1x128xi32, #tpu.memory_space<vmem>> -> memref<128xi32, #tpu.memory_space<vmem>>
      %dma_start3A_793 = arith.constant 0 : i32
      %dma_start3A_794 = arith.constant 0 : i32
      %dma_start3A_795 = tpu.memref_slice %arg3[%dma_start3A_793, %dma_start3A_794] : memref<1000000x64xf32, #tpu.memory_space<hbm>> -> memref<1000000x64xf32, #tpu.memory_space<hbm>>
      tpu.enqueue_indirect_dma source(%dma_start3A_795 : memref<1000000x64xf32, #tpu.memory_space<hbm>>) target(%dma_start3A_789 : memref<128x64xf32, #tpu.memory_space<vmem>>) offsets(%dma_start3A_792 : memref<128xi32, #tpu.memory_space<vmem>>) semaphore(%arg8 : memref<!tpu.dma_semaphore, #tpu.memory_space<semaphore_mem>>)
      %mul3A_796 = arith.constant 5 : i32
      %mul3A_797 = arith.muli %add3A_735, %mul3A_796 : i32
      %add3A_798 = arith.constant 4 : i32
      %add3A_799 = arith.addi %mul3A_797, %add3A_798 : i32
      %dma_start3A_800 = arith.constant 9 : i32
      %dma_start3A_801 = arith.constant 0 : i32
      %dma_start3A_802 = arith.constant 0 : i32
      %dma_start3A_803 = tpu.memref_slice %arg6[%dma_start3A_800, %dma_start3A_801, %dma_start3A_802] : memref<10x128x64xf32, #tpu.memory_space<vmem>> -> memref<1x128x64xf32, #tpu.memory_space<vmem>>
      %dma_start3A_804 = tpu.memref_squeeze %dma_start3A_803 : memref<1x128x64xf32, #tpu.memory_space<vmem>> -> memref<128x64xf32, #tpu.memory_space<vmem>>
      %dma_start3A_805 = arith.constant 0 : i32
      %dma_start3A_806 = tpu.memref_slice %arg5[%add3A_799, %dma_start3A_805] : memref<200x128xi32, #tpu.memory_space<vmem>> -> memref<1x128xi32, #tpu.memory_space<vmem>>
      %dma_start3A_807 = tpu.memref_squeeze %dma_start3A_806 : memref<1x128xi32, #tpu.memory_space<vmem>> -> memref<128xi32, #tpu.memory_space<vmem>>
      %dma_start3A_808 = arith.constant 0 : i32
      %dma_start3A_809 = arith.constant 0 : i32
      %dma_start3A_810 = tpu.memref_slice %arg3[%dma_start3A_808, %dma_start3A_809] : memref<1000000x64xf32, #tpu.memory_space<hbm>> -> memref<1000000x64xf32, #tpu.memory_space<hbm>>
      tpu.enqueue_indirect_dma source(%dma_start3A_810 : memref<1000000x64xf32, #tpu.memory_space<hbm>>) target(%dma_start3A_804 : memref<128x64xf32, #tpu.memory_space<vmem>>) offsets(%dma_start3A_807 : memref<128xi32, #tpu.memory_space<vmem>>) semaphore(%arg8 : memref<!tpu.dma_semaphore, #tpu.memory_space<semaphore_mem>>)
      %dma_wait3A_811 = arith.constant 0 : i32
      %dma_wait3A_812 = arith.constant 0 : i32
      %dma_wait3A_813 = arith.constant 0 : i32
      %dma_wait3A_814 = tpu.memref_slice %arg6[%dma_wait3A_811, %dma_wait3A_812, %dma_wait3A_813] : memref<10x128x64xf32, #tpu.memory_space<vmem>> -> memref<1x128x64xf32, #tpu.memory_space<vmem>>
      %dma_wait3A_815 = tpu.memref_squeeze %dma_wait3A_814 : memref<1x128x64xf32, #tpu.memory_space<vmem>> -> memref<128x64xf32, #tpu.memory_space<vmem>>
      %dma_wait3A_816 = arith.constant 0 : i32
      %dma_wait3A_817 = tpu.memref_slice %arg5[%add3A_597, %dma_wait3A_816] : memref<200x128xi32, #tpu.memory_space<vmem>> -> memref<1x128xi32, #tpu.memory_space<vmem>>
      %dma_wait3A_818 = tpu.memref_squeeze %dma_wait3A_817 : memref<1x128xi32, #tpu.memory_space<vmem>> -> memref<128xi32, #tpu.memory_space<vmem>>
      %dma_wait3A_819 = arith.constant 0 : i32
      %dma_wait3A_820 = arith.constant 0 : i32
      %dma_wait3A_821 = tpu.memref_slice %arg3[%dma_wait3A_819, %dma_wait3A_820] : memref<1000000x64xf32, #tpu.memory_space<hbm>> -> memref<1000000x64xf32, #tpu.memory_space<hbm>>
      tpu.wait_indirect_dma semaphore(%arg7 : memref<!tpu.dma_semaphore, #tpu.memory_space<semaphore_mem>>) src(%dma_wait3A_821 : memref<1000000x64xf32, #tpu.memory_space<hbm>>) dst(%dma_wait3A_815 : memref<128x64xf32, #tpu.memory_space<vmem>>)
      %dma_wait3A_822 = arith.constant 1 : i32
      %dma_wait3A_823 = arith.constant 0 : i32
      %dma_wait3A_824 = arith.constant 0 : i32
      %dma_wait3A_825 = tpu.memref_slice %arg6[%dma_wait3A_822, %dma_wait3A_823, %dma_wait3A_824] : memref<10x128x64xf32, #tpu.memory_space<vmem>> -> memref<1x128x64xf32, #tpu.memory_space<vmem>>
      %dma_wait3A_826 = tpu.memref_squeeze %dma_wait3A_825 : memref<1x128x64xf32, #tpu.memory_space<vmem>> -> memref<128x64xf32, #tpu.memory_space<vmem>>
      %dma_wait3A_827 = arith.constant 0 : i32
      %dma_wait3A_828 = tpu.memref_slice %arg5[%add3A_612, %dma_wait3A_827] : memref<200x128xi32, #tpu.memory_space<vmem>> -> memref<1x128xi32, #tpu.memory_space<vmem>>
      %dma_wait3A_829 = tpu.memref_squeeze %dma_wait3A_828 : memref<1x128xi32, #tpu.memory_space<vmem>> -> memref<128xi32, #tpu.memory_space<vmem>>
      %dma_wait3A_830 = arith.constant 0 : i32
      %dma_wait3A_831 = arith.constant 0 : i32
      %dma_wait3A_832 = tpu.memref_slice %arg3[%dma_wait3A_830, %dma_wait3A_831] : memref<1000000x64xf32, #tpu.memory_space<hbm>> -> memref<1000000x64xf32, #tpu.memory_space<hbm>>
      tpu.wait_indirect_dma semaphore(%arg7 : memref<!tpu.dma_semaphore, #tpu.memory_space<semaphore_mem>>) src(%dma_wait3A_832 : memref<1000000x64xf32, #tpu.memory_space<hbm>>) dst(%dma_wait3A_826 : memref<128x64xf32, #tpu.memory_space<vmem>>)
      %dma_wait3A_833 = arith.constant 2 : i32
      %dma_wait3A_834 = arith.constant 0 : i32
      %dma_wait3A_835 = arith.constant 0 : i32
      %dma_wait3A_836 = tpu.memref_slice %arg6[%dma_wait3A_833, %dma_wait3A_834, %dma_wait3A_835] : memref<10x128x64xf32, #tpu.memory_space<vmem>> -> memref<1x128x64xf32, #tpu.memory_space<vmem>>
      %dma_wait3A_837 = tpu.memref_squeeze %dma_wait3A_836 : memref<1x128x64xf32, #tpu.memory_space<vmem>> -> memref<128x64xf32, #tpu.memory_space<vmem>>
      %dma_wait3A_838 = arith.constant 0 : i32
      %dma_wait3A_839 = tpu.memref_slice %arg5[%add3A_627, %dma_wait3A_838] : memref<200x128xi32, #tpu.memory_space<vmem>> -> memref<1x128xi32, #tpu.memory_space<vmem>>
      %dma_wait3A_840 = tpu.memref_squeeze %dma_wait3A_839 : memref<1x128xi32, #tpu.memory_space<vmem>> -> memref<128xi32, #tpu.memory_space<vmem>>
      %dma_wait3A_841 = arith.constant 0 : i32
      %dma_wait3A_842 = arith.constant 0 : i32
      %dma_wait3A_843 = tpu.memref_slice %arg3[%dma_wait3A_841, %dma_wait3A_842] : memref<1000000x64xf32, #tpu.memory_space<hbm>> -> memref<1000000x64xf32, #tpu.memory_space<hbm>>
      tpu.wait_indirect_dma semaphore(%arg7 : memref<!tpu.dma_semaphore, #tpu.memory_space<semaphore_mem>>) src(%dma_wait3A_843 : memref<1000000x64xf32, #tpu.memory_space<hbm>>) dst(%dma_wait3A_837 : memref<128x64xf32, #tpu.memory_space<vmem>>)
      %dma_wait3A_844 = arith.constant 3 : i32
      %dma_wait3A_845 = arith.constant 0 : i32
      %dma_wait3A_846 = arith.constant 0 : i32
      %dma_wait3A_847 = tpu.memref_slice %arg6[%dma_wait3A_844, %dma_wait3A_845, %dma_wait3A_846] : memref<10x128x64xf32, #tpu.memory_space<vmem>> -> memref<1x128x64xf32, #tpu.memory_space<vmem>>
      %dma_wait3A_848 = tpu.memref_squeeze %dma_wait3A_847 : memref<1x128x64xf32, #tpu.memory_space<vmem>> -> memref<128x64xf32, #tpu.memory_space<vmem>>
      %dma_wait3A_849 = arith.constant 0 : i32
      %dma_wait3A_850 = tpu.memref_slice %arg5[%add3A_642, %dma_wait3A_849] : memref<200x128xi32, #tpu.memory_space<vmem>> -> memref<1x128xi32, #tpu.memory_space<vmem>>
      %dma_wait3A_851 = tpu.memref_squeeze %dma_wait3A_850 : memref<1x128xi32, #tpu.memory_space<vmem>> -> memref<128xi32, #tpu.memory_space<vmem>>
      %dma_wait3A_852 = arith.constant 0 : i32
      %dma_wait3A_853 = arith.constant 0 : i32
      %dma_wait3A_854 = tpu.memref_slice %arg3[%dma_wait3A_852, %dma_wait3A_853] : memref<1000000x64xf32, #tpu.memory_space<hbm>> -> memref<1000000x64xf32, #tpu.memory_space<hbm>>
      tpu.wait_indirect_dma semaphore(%arg7 : memref<!tpu.dma_semaphore, #tpu.memory_space<semaphore_mem>>) src(%dma_wait3A_854 : memref<1000000x64xf32, #tpu.memory_space<hbm>>) dst(%dma_wait3A_848 : memref<128x64xf32, #tpu.memory_space<vmem>>)
      %dma_wait3A_855 = arith.constant 4 : i32
      %dma_wait3A_856 = arith.constant 0 : i32
      %dma_wait3A_857 = arith.constant 0 : i32
      %dma_wait3A_858 = tpu.memref_slice %arg6[%dma_wait3A_855, %dma_wait3A_856, %dma_wait3A_857] : memref<10x128x64xf32, #tpu.memory_space<vmem>> -> memref<1x128x64xf32, #tpu.memory_space<vmem>>
      %dma_wait3A_859 = tpu.memref_squeeze %dma_wait3A_858 : memref<1x128x64xf32, #tpu.memory_space<vmem>> -> memref<128x64xf32, #tpu.memory_space<vmem>>
      %dma_wait3A_860 = arith.constant 0 : i32
      %dma_wait3A_861 = tpu.memref_slice %arg5[%add3A_657, %dma_wait3A_860] : memref<200x128xi32, #tpu.memory_space<vmem>> -> memref<1x128xi32, #tpu.memory_space<vmem>>
      %dma_wait3A_862 = tpu.memref_squeeze %dma_wait3A_861 : memref<1x128xi32, #tpu.memory_space<vmem>> -> memref<128xi32, #tpu.memory_space<vmem>>
      %dma_wait3A_863 = arith.constant 0 : i32
      %dma_wait3A_864 = arith.constant 0 : i32
      %dma_wait3A_865 = tpu.memref_slice %arg3[%dma_wait3A_863, %dma_wait3A_864] : memref<1000000x64xf32, #tpu.memory_space<hbm>> -> memref<1000000x64xf32, #tpu.memory_space<hbm>>
      tpu.wait_indirect_dma semaphore(%arg7 : memref<!tpu.dma_semaphore, #tpu.memory_space<semaphore_mem>>) src(%dma_wait3A_865 : memref<1000000x64xf32, #tpu.memory_space<hbm>>) dst(%dma_wait3A_859 : memref<128x64xf32, #tpu.memory_space<vmem>>)
      %mul3A_866 = arith.constant 5 : i32
      %mul3A_867 = arith.muli %mul3A_528, %mul3A_866 : i32
      %add3A_868 = arith.constant 0 : i32
      %add3A_869 = arith.addi %mul3A_867, %add3A_868 : i32
      %mul3A_870 = arith.constant 128 : i32
      %mul3A_871 = arith.muli %add3A_869, %mul3A_870 : i32
      %add3A_872 = arith.addi %mul3A_2, %mul3A_871 : i32
      %dma_start3A_873 = arith.constant 0 : i32
      %dma_start3A_874 = arith.constant 0 : i32
      %dma_start3A_875 = arith.constant 0 : i32
      %dma_start3A_876 = tpu.memref_slice %arg6[%dma_start3A_873, %dma_start3A_874, %dma_start3A_875] : memref<10x128x64xf32, #tpu.memory_space<vmem>> -> memref<1x128x64xf32, #tpu.memory_space<vmem>>
      %dma_start3A_877 = tpu.memref_squeeze %dma_start3A_876 : memref<1x128x64xf32, #tpu.memory_space<vmem>> -> memref<128x64xf32, #tpu.memory_space<vmem>>
      %dma_start3A_878 = arith.constant 0 : i32
      %dma_start3A_879 = tpu.memref_slice %arg4[%add3A_872, %dma_start3A_878] : memref<819200x64xf32, #tpu.memory_space<hbm>> -> memref<128x64xf32, #tpu.memory_space<hbm>>
      %dma_start3A_880 = arith.constant 0 : i32
      %dma_start3A_881 = tpu.memref_slice %arg4[%add3A_872, %dma_start3A_880] : memref<819200x64xf32, #tpu.memory_space<hbm>> -> memref<128x64xf32, #tpu.memory_space<hbm>>
      %dma_start3A_882 = arith.constant 0 : i32
      %dma_start3A_883 = arith.constant 0 : i32
      %dma_start3A_884 = tpu.memref_slice %arg6[%dma_start3A_873, %dma_start3A_882, %dma_start3A_883] : memref<10x128x64xf32, #tpu.memory_space<vmem>> -> memref<1x128x64xf32, #tpu.memory_space<vmem>>
      %dma_start3A_885 = tpu.memref_squeeze %dma_start3A_884 : memref<1x128x64xf32, #tpu.memory_space<vmem>> -> memref<128x64xf32, #tpu.memory_space<vmem>>
      tpu.enqueue_dma source(%dma_start3A_885 : memref<128x64xf32, #tpu.memory_space<vmem>>) target(%dma_start3A_881 : memref<128x64xf32, #tpu.memory_space<hbm>>) target_semaphore(%arg9 : memref<!tpu.dma_semaphore, #tpu.memory_space<semaphore_mem>>)
      %mul3A_886 = arith.constant 5 : i32
      %mul3A_887 = arith.muli %mul3A_528, %mul3A_886 : i32
      %add3A_888 = arith.constant 1 : i32
      %add3A_889 = arith.addi %mul3A_887, %add3A_888 : i32
      %mul3A_890 = arith.constant 128 : i32
      %mul3A_891 = arith.muli %add3A_889, %mul3A_890 : i32
      %add3A_892 = arith.addi %mul3A_2, %mul3A_891 : i32
      %dma_start3A_893 = arith.constant 1 : i32
      %dma_start3A_894 = arith.constant 0 : i32
      %dma_start3A_895 = arith.constant 0 : i32
      %dma_start3A_896 = tpu.memref_slice %arg6[%dma_start3A_893, %dma_start3A_894, %dma_start3A_895] : memref<10x128x64xf32, #tpu.memory_space<vmem>> -> memref<1x128x64xf32, #tpu.memory_space<vmem>>
      %dma_start3A_897 = tpu.memref_squeeze %dma_start3A_896 : memref<1x128x64xf32, #tpu.memory_space<vmem>> -> memref<128x64xf32, #tpu.memory_space<vmem>>
      %dma_start3A_898 = arith.constant 0 : i32
      %dma_start3A_899 = tpu.memref_slice %arg4[%add3A_892, %dma_start3A_898] : memref<819200x64xf32, #tpu.memory_space<hbm>> -> memref<128x64xf32, #tpu.memory_space<hbm>>
      %dma_start3A_900 = arith.constant 0 : i32
      %dma_start3A_901 = tpu.memref_slice %arg4[%add3A_892, %dma_start3A_900] : memref<819200x64xf32, #tpu.memory_space<hbm>> -> memref<128x64xf32, #tpu.memory_space<hbm>>
      %dma_start3A_902 = arith.constant 0 : i32
      %dma_start3A_903 = arith.constant 0 : i32
      %dma_start3A_904 = tpu.memref_slice %arg6[%dma_start3A_893, %dma_start3A_902, %dma_start3A_903] : memref<10x128x64xf32, #tpu.memory_space<vmem>> -> memref<1x128x64xf32, #tpu.memory_space<vmem>>
      %dma_start3A_905 = tpu.memref_squeeze %dma_start3A_904 : memref<1x128x64xf32, #tpu.memory_space<vmem>> -> memref<128x64xf32, #tpu.memory_space<vmem>>
      tpu.enqueue_dma source(%dma_start3A_905 : memref<128x64xf32, #tpu.memory_space<vmem>>) target(%dma_start3A_901 : memref<128x64xf32, #tpu.memory_space<hbm>>) target_semaphore(%arg9 : memref<!tpu.dma_semaphore, #tpu.memory_space<semaphore_mem>>)
      %mul3A_906 = arith.constant 5 : i32
      %mul3A_907 = arith.muli %mul3A_528, %mul3A_906 : i32
      %add3A_908 = arith.constant 2 : i32
      %add3A_909 = arith.addi %mul3A_907, %add3A_908 : i32
      %mul3A_910 = arith.constant 128 : i32
      %mul3A_911 = arith.muli %add3A_909, %mul3A_910 : i32
      %add3A_912 = arith.addi %mul3A_2, %mul3A_911 : i32
      %dma_start3A_913 = arith.constant 2 : i32
      %dma_start3A_914 = arith.constant 0 : i32
      %dma_start3A_915 = arith.constant 0 : i32
      %dma_start3A_916 = tpu.memref_slice %arg6[%dma_start3A_913, %dma_start3A_914, %dma_start3A_915] : memref<10x128x64xf32, #tpu.memory_space<vmem>> -> memref<1x128x64xf32, #tpu.memory_space<vmem>>
      %dma_start3A_917 = tpu.memref_squeeze %dma_start3A_916 : memref<1x128x64xf32, #tpu.memory_space<vmem>> -> memref<128x64xf32, #tpu.memory_space<vmem>>
      %dma_start3A_918 = arith.constant 0 : i32
      %dma_start3A_919 = tpu.memref_slice %arg4[%add3A_912, %dma_start3A_918] : memref<819200x64xf32, #tpu.memory_space<hbm>> -> memref<128x64xf32, #tpu.memory_space<hbm>>
      %dma_start3A_920 = arith.constant 0 : i32
      %dma_start3A_921 = tpu.memref_slice %arg4[%add3A_912, %dma_start3A_920] : memref<819200x64xf32, #tpu.memory_space<hbm>> -> memref<128x64xf32, #tpu.memory_space<hbm>>
      %dma_start3A_922 = arith.constant 0 : i32
      %dma_start3A_923 = arith.constant 0 : i32
      %dma_start3A_924 = tpu.memref_slice %arg6[%dma_start3A_913, %dma_start3A_922, %dma_start3A_923] : memref<10x128x64xf32, #tpu.memory_space<vmem>> -> memref<1x128x64xf32, #tpu.memory_space<vmem>>
      %dma_start3A_925 = tpu.memref_squeeze %dma_start3A_924 : memref<1x128x64xf32, #tpu.memory_space<vmem>> -> memref<128x64xf32, #tpu.memory_space<vmem>>
      tpu.enqueue_dma source(%dma_start3A_925 : memref<128x64xf32, #tpu.memory_space<vmem>>) target(%dma_start3A_921 : memref<128x64xf32, #tpu.memory_space<hbm>>) target_semaphore(%arg9 : memref<!tpu.dma_semaphore, #tpu.memory_space<semaphore_mem>>)
      %mul3A_926 = arith.constant 5 : i32
      %mul3A_927 = arith.muli %mul3A_528, %mul3A_926 : i32
      %add3A_928 = arith.constant 3 : i32
      %add3A_929 = arith.addi %mul3A_927, %add3A_928 : i32
      %mul3A_930 = arith.constant 128 : i32
      %mul3A_931 = arith.muli %add3A_929, %mul3A_930 : i32
      %add3A_932 = arith.addi %mul3A_2, %mul3A_931 : i32
      %dma_start3A_933 = arith.constant 3 : i32
      %dma_start3A_934 = arith.constant 0 : i32
      %dma_start3A_935 = arith.constant 0 : i32
      %dma_start3A_936 = tpu.memref_slice %arg6[%dma_start3A_933, %dma_start3A_934, %dma_start3A_935] : memref<10x128x64xf32, #tpu.memory_space<vmem>> -> memref<1x128x64xf32, #tpu.memory_space<vmem>>
      %dma_start3A_937 = tpu.memref_squeeze %dma_start3A_936 : memref<1x128x64xf32, #tpu.memory_space<vmem>> -> memref<128x64xf32, #tpu.memory_space<vmem>>
      %dma_start3A_938 = arith.constant 0 : i32
      %dma_start3A_939 = tpu.memref_slice %arg4[%add3A_932, %dma_start3A_938] : memref<819200x64xf32, #tpu.memory_space<hbm>> -> memref<128x64xf32, #tpu.memory_space<hbm>>
      %dma_start3A_940 = arith.constant 0 : i32
      %dma_start3A_941 = tpu.memref_slice %arg4[%add3A_932, %dma_start3A_940] : memref<819200x64xf32, #tpu.memory_space<hbm>> -> memref<128x64xf32, #tpu.memory_space<hbm>>
      %dma_start3A_942 = arith.constant 0 : i32
      %dma_start3A_943 = arith.constant 0 : i32
      %dma_start3A_944 = tpu.memref_slice %arg6[%dma_start3A_933, %dma_start3A_942, %dma_start3A_943] : memref<10x128x64xf32, #tpu.memory_space<vmem>> -> memref<1x128x64xf32, #tpu.memory_space<vmem>>
      %dma_start3A_945 = tpu.memref_squeeze %dma_start3A_944 : memref<1x128x64xf32, #tpu.memory_space<vmem>> -> memref<128x64xf32, #tpu.memory_space<vmem>>
      tpu.enqueue_dma source(%dma_start3A_945 : memref<128x64xf32, #tpu.memory_space<vmem>>) target(%dma_start3A_941 : memref<128x64xf32, #tpu.memory_space<hbm>>) target_semaphore(%arg9 : memref<!tpu.dma_semaphore, #tpu.memory_space<semaphore_mem>>)
      %mul3A_946 = arith.constant 5 : i32
      %mul3A_947 = arith.muli %mul3A_528, %mul3A_946 : i32
      %add3A_948 = arith.constant 4 : i32
      %add3A_949 = arith.addi %mul3A_947, %add3A_948 : i32
      %mul3A_950 = arith.constant 128 : i32
      %mul3A_951 = arith.muli %add3A_949, %mul3A_950 : i32
      %add3A_952 = arith.addi %mul3A_2, %mul3A_951 : i32
      %dma_start3A_953 = arith.constant 4 : i32
      %dma_start3A_954 = arith.constant 0 : i32
      %dma_start3A_955 = arith.constant 0 : i32
      %dma_start3A_956 = tpu.memref_slice %arg6[%dma_start3A_953, %dma_start3A_954, %dma_start3A_955] : memref<10x128x64xf32, #tpu.memory_space<vmem>> -> memref<1x128x64xf32, #tpu.memory_space<vmem>>
      %dma_start3A_957 = tpu.memref_squeeze %dma_start3A_956 : memref<1x128x64xf32, #tpu.memory_space<vmem>> -> memref<128x64xf32, #tpu.memory_space<vmem>>
      %dma_start3A_958 = arith.constant 0 : i32
      %dma_start3A_959 = tpu.memref_slice %arg4[%add3A_952, %dma_start3A_958] : memref<819200x64xf32, #tpu.memory_space<hbm>> -> memref<128x64xf32, #tpu.memory_space<hbm>>
      %dma_start3A_960 = arith.constant 0 : i32
      %dma_start3A_961 = tpu.memref_slice %arg4[%add3A_952, %dma_start3A_960] : memref<819200x64xf32, #tpu.memory_space<hbm>> -> memref<128x64xf32, #tpu.memory_space<hbm>>
      %dma_start3A_962 = arith.constant 0 : i32
      %dma_start3A_963 = arith.constant 0 : i32
      %dma_start3A_964 = tpu.memref_slice %arg6[%dma_start3A_953, %dma_start3A_962, %dma_start3A_963] : memref<10x128x64xf32, #tpu.memory_space<vmem>> -> memref<1x128x64xf32, #tpu.memory_space<vmem>>
      %dma_start3A_965 = tpu.memref_squeeze %dma_start3A_964 : memref<1x128x64xf32, #tpu.memory_space<vmem>> -> memref<128x64xf32, #tpu.memory_space<vmem>>
      tpu.enqueue_dma source(%dma_start3A_965 : memref<128x64xf32, #tpu.memory_space<vmem>>) target(%dma_start3A_961 : memref<128x64xf32, #tpu.memory_space<hbm>>) target_semaphore(%arg9 : memref<!tpu.dma_semaphore, #tpu.memory_space<semaphore_mem>>)
      %dma_wait3A_966 = arith.constant 5 : i32
      %dma_wait3A_967 = arith.constant 0 : i32
      %dma_wait3A_968 = arith.constant 0 : i32
      %dma_wait3A_969 = tpu.memref_slice %arg6[%dma_wait3A_966, %dma_wait3A_967, %dma_wait3A_968] : memref<10x128x64xf32, #tpu.memory_space<vmem>> -> memref<1x128x64xf32, #tpu.memory_space<vmem>>
      %dma_wait3A_970 = tpu.memref_squeeze %dma_wait3A_969 : memref<1x128x64xf32, #tpu.memory_space<vmem>> -> memref<128x64xf32, #tpu.memory_space<vmem>>
      %dma_wait3A_971 = arith.constant 0 : i32
      %dma_wait3A_972 = tpu.memref_slice %arg5[%add3A_739, %dma_wait3A_971] : memref<200x128xi32, #tpu.memory_space<vmem>> -> memref<1x128xi32, #tpu.memory_space<vmem>>
      %dma_wait3A_973 = tpu.memref_squeeze %dma_wait3A_972 : memref<1x128xi32, #tpu.memory_space<vmem>> -> memref<128xi32, #tpu.memory_space<vmem>>
      %dma_wait3A_974 = arith.constant 0 : i32
      %dma_wait3A_975 = arith.constant 0 : i32
      %dma_wait3A_976 = tpu.memref_slice %arg3[%dma_wait3A_974, %dma_wait3A_975] : memref<1000000x64xf32, #tpu.memory_space<hbm>> -> memref<1000000x64xf32, #tpu.memory_space<hbm>>
      tpu.wait_indirect_dma semaphore(%arg8 : memref<!tpu.dma_semaphore, #tpu.memory_space<semaphore_mem>>) src(%dma_wait3A_976 : memref<1000000x64xf32, #tpu.memory_space<hbm>>) dst(%dma_wait3A_970 : memref<128x64xf32, #tpu.memory_space<vmem>>)
      %dma_wait3A_977 = arith.constant 6 : i32
      %dma_wait3A_978 = arith.constant 0 : i32
      %dma_wait3A_979 = arith.constant 0 : i32
      %dma_wait3A_980 = tpu.memref_slice %arg6[%dma_wait3A_977, %dma_wait3A_978, %dma_wait3A_979] : memref<10x128x64xf32, #tpu.memory_space<vmem>> -> memref<1x128x64xf32, #tpu.memory_space<vmem>>
      %dma_wait3A_981 = tpu.memref_squeeze %dma_wait3A_980 : memref<1x128x64xf32, #tpu.memory_space<vmem>> -> memref<128x64xf32, #tpu.memory_space<vmem>>
      %dma_wait3A_982 = arith.constant 0 : i32
      %dma_wait3A_983 = tpu.memref_slice %arg5[%add3A_754, %dma_wait3A_982] : memref<200x128xi32, #tpu.memory_space<vmem>> -> memref<1x128xi32, #tpu.memory_space<vmem>>
      %dma_wait3A_984 = tpu.memref_squeeze %dma_wait3A_983 : memref<1x128xi32, #tpu.memory_space<vmem>> -> memref<128xi32, #tpu.memory_space<vmem>>
      %dma_wait3A_985 = arith.constant 0 : i32
      %dma_wait3A_986 = arith.constant 0 : i32
      %dma_wait3A_987 = tpu.memref_slice %arg3[%dma_wait3A_985, %dma_wait3A_986] : memref<1000000x64xf32, #tpu.memory_space<hbm>> -> memref<1000000x64xf32, #tpu.memory_space<hbm>>
      tpu.wait_indirect_dma semaphore(%arg8 : memref<!tpu.dma_semaphore, #tpu.memory_space<semaphore_mem>>) src(%dma_wait3A_987 : memref<1000000x64xf32, #tpu.memory_space<hbm>>) dst(%dma_wait3A_981 : memref<128x64xf32, #tpu.memory_space<vmem>>)
      %dma_wait3A_988 = arith.constant 7 : i32
      %dma_wait3A_989 = arith.constant 0 : i32
      %dma_wait3A_990 = arith.constant 0 : i32
      %dma_wait3A_991 = tpu.memref_slice %arg6[%dma_wait3A_988, %dma_wait3A_989, %dma_wait3A_990] : memref<10x128x64xf32, #tpu.memory_space<vmem>> -> memref<1x128x64xf32, #tpu.memory_space<vmem>>
      %dma_wait3A_992 = tpu.memref_squeeze %dma_wait3A_991 : memref<1x128x64xf32, #tpu.memory_space<vmem>> -> memref<128x64xf32, #tpu.memory_space<vmem>>
      %dma_wait3A_993 = arith.constant 0 : i32
      %dma_wait3A_994 = tpu.memref_slice %arg5[%add3A_769, %dma_wait3A_993] : memref<200x128xi32, #tpu.memory_space<vmem>> -> memref<1x128xi32, #tpu.memory_space<vmem>>
      %dma_wait3A_995 = tpu.memref_squeeze %dma_wait3A_994 : memref<1x128xi32, #tpu.memory_space<vmem>> -> memref<128xi32, #tpu.memory_space<vmem>>
      %dma_wait3A_996 = arith.constant 0 : i32
      %dma_wait3A_997 = arith.constant 0 : i32
      %dma_wait3A_998 = tpu.memref_slice %arg3[%dma_wait3A_996, %dma_wait3A_997] : memref<1000000x64xf32, #tpu.memory_space<hbm>> -> memref<1000000x64xf32, #tpu.memory_space<hbm>>
      tpu.wait_indirect_dma semaphore(%arg8 : memref<!tpu.dma_semaphore, #tpu.memory_space<semaphore_mem>>) src(%dma_wait3A_998 : memref<1000000x64xf32, #tpu.memory_space<hbm>>) dst(%dma_wait3A_992 : memref<128x64xf32, #tpu.memory_space<vmem>>)
      %dma_wait3A_999 = arith.constant 8 : i32
      %dma_wait3A_1000 = arith.constant 0 : i32
      %dma_wait3A_1001 = arith.constant 0 : i32
      %dma_wait3A_1002 = tpu.memref_slice %arg6[%dma_wait3A_999, %dma_wait3A_1000, %dma_wait3A_1001] : memref<10x128x64xf32, #tpu.memory_space<vmem>> -> memref<1x128x64xf32, #tpu.memory_space<vmem>>
      %dma_wait3A_1003 = tpu.memref_squeeze %dma_wait3A_1002 : memref<1x128x64xf32, #tpu.memory_space<vmem>> -> memref<128x64xf32, #tpu.memory_space<vmem>>
      %dma_wait3A_1004 = arith.constant 0 : i32
      %dma_wait3A_1005 = tpu.memref_slice %arg5[%add3A_784, %dma_wait3A_1004] : memref<200x128xi32, #tpu.memory_space<vmem>> -> memref<1x128xi32, #tpu.memory_space<vmem>>
      %dma_wait3A_1006 = tpu.memref_squeeze %dma_wait3A_1005 : memref<1x128xi32, #tpu.memory_space<vmem>> -> memref<128xi32, #tpu.memory_space<vmem>>
      %dma_wait3A_1007 = arith.constant 0 : i32
      %dma_wait3A_1008 = arith.constant 0 : i32
      %dma_wait3A_1009 = tpu.memref_slice %arg3[%dma_wait3A_1007, %dma_wait3A_1008] : memref<1000000x64xf32, #tpu.memory_space<hbm>> -> memref<1000000x64xf32, #tpu.memory_space<hbm>>
      tpu.wait_indirect_dma semaphore(%arg8 : memref<!tpu.dma_semaphore, #tpu.memory_space<semaphore_mem>>) src(%dma_wait3A_1009 : memref<1000000x64xf32, #tpu.memory_space<hbm>>) dst(%dma_wait3A_1003 : memref<128x64xf32, #tpu.memory_space<vmem>>)
      %dma_wait3A_1010 = arith.constant 9 : i32
      %dma_wait3A_1011 = arith.constant 0 : i32
      %dma_wait3A_1012 = arith.constant 0 : i32
      %dma_wait3A_1013 = tpu.memref_slice %arg6[%dma_wait3A_1010, %dma_wait3A_1011, %dma_wait3A_1012] : memref<10x128x64xf32, #tpu.memory_space<vmem>> -> memref<1x128x64xf32, #tpu.memory_space<vmem>>
      %dma_wait3A_1014 = tpu.memref_squeeze %dma_wait3A_1013 : memref<1x128x64xf32, #tpu.memory_space<vmem>> -> memref<128x64xf32, #tpu.memory_space<vmem>>
      %dma_wait3A_1015 = arith.constant 0 : i32
      %dma_wait3A_1016 = tpu.memref_slice %arg5[%add3A_799, %dma_wait3A_1015] : memref<200x128xi32, #tpu.memory_space<vmem>> -> memref<1x128xi32, #tpu.memory_space<vmem>>
      %dma_wait3A_1017 = tpu.memref_squeeze %dma_wait3A_1016 : memref<1x128xi32, #tpu.memory_space<vmem>> -> memref<128xi32, #tpu.memory_space<vmem>>
      %dma_wait3A_1018 = arith.constant 0 : i32
      %dma_wait3A_1019 = arith.constant 0 : i32
      %dma_wait3A_1020 = tpu.memref_slice %arg3[%dma_wait3A_1018, %dma_wait3A_1019] : memref<1000000x64xf32, #tpu.memory_space<hbm>> -> memref<1000000x64xf32, #tpu.memory_space<hbm>>
      tpu.wait_indirect_dma semaphore(%arg8 : memref<!tpu.dma_semaphore, #tpu.memory_space<semaphore_mem>>) src(%dma_wait3A_1020 : memref<1000000x64xf32, #tpu.memory_space<hbm>>) dst(%dma_wait3A_1014 : memref<128x64xf32, #tpu.memory_space<vmem>>)
      %mul3A_1021 = arith.constant 5 : i32
      %mul3A_1022 = arith.muli %add3A_735, %mul3A_1021 : i32
      %add3A_1023 = arith.constant 0 : i32
      %add3A_1024 = arith.addi %mul3A_1022, %add3A_1023 : i32
      %mul3A_1025 = arith.constant 128 : i32
      %mul3A_1026 = arith.muli %add3A_1024, %mul3A_1025 : i32
      %add3A_1027 = arith.addi %mul3A_2, %mul3A_1026 : i32
      %dma_start3A_1028 = arith.constant 5 : i32
      %dma_start3A_1029 = arith.constant 0 : i32
      %dma_start3A_1030 = arith.constant 0 : i32
      %dma_start3A_1031 = tpu.memref_slice %arg6[%dma_start3A_1028, %dma_start3A_1029, %dma_start3A_1030] : memref<10x128x64xf32, #tpu.memory_space<vmem>> -> memref<1x128x64xf32, #tpu.memory_space<vmem>>
      %dma_start3A_1032 = tpu.memref_squeeze %dma_start3A_1031 : memref<1x128x64xf32, #tpu.memory_space<vmem>> -> memref<128x64xf32, #tpu.memory_space<vmem>>
      %dma_start3A_1033 = arith.constant 0 : i32
      %dma_start3A_1034 = tpu.memref_slice %arg4[%add3A_1027, %dma_start3A_1033] : memref<819200x64xf32, #tpu.memory_space<hbm>> -> memref<128x64xf32, #tpu.memory_space<hbm>>
      %dma_start3A_1035 = arith.constant 0 : i32
      %dma_start3A_1036 = tpu.memref_slice %arg4[%add3A_1027, %dma_start3A_1035] : memref<819200x64xf32, #tpu.memory_space<hbm>> -> memref<128x64xf32, #tpu.memory_space<hbm>>
      %dma_start3A_1037 = arith.constant 0 : i32
      %dma_start3A_1038 = arith.constant 0 : i32
      %dma_start3A_1039 = tpu.memref_slice %arg6[%dma_start3A_1028, %dma_start3A_1037, %dma_start3A_1038] : memref<10x128x64xf32, #tpu.memory_space<vmem>> -> memref<1x128x64xf32, #tpu.memory_space<vmem>>
      %dma_start3A_1040 = tpu.memref_squeeze %dma_start3A_1039 : memref<1x128x64xf32, #tpu.memory_space<vmem>> -> memref<128x64xf32, #tpu.memory_space<vmem>>
      tpu.enqueue_dma source(%dma_start3A_1040 : memref<128x64xf32, #tpu.memory_space<vmem>>) target(%dma_start3A_1036 : memref<128x64xf32, #tpu.memory_space<hbm>>) target_semaphore(%arg10 : memref<!tpu.dma_semaphore, #tpu.memory_space<semaphore_mem>>)
      %mul3A_1041 = arith.constant 5 : i32
      %mul3A_1042 = arith.muli %add3A_735, %mul3A_1041 : i32
      %add3A_1043 = arith.constant 1 : i32
      %add3A_1044 = arith.addi %mul3A_1042, %add3A_1043 : i32
      %mul3A_1045 = arith.constant 128 : i32
      %mul3A_1046 = arith.muli %add3A_1044, %mul3A_1045 : i32
      %add3A_1047 = arith.addi %mul3A_2, %mul3A_1046 : i32
      %dma_start3A_1048 = arith.constant 6 : i32
      %dma_start3A_1049 = arith.constant 0 : i32
      %dma_start3A_1050 = arith.constant 0 : i32
      %dma_start3A_1051 = tpu.memref_slice %arg6[%dma_start3A_1048, %dma_start3A_1049, %dma_start3A_1050] : memref<10x128x64xf32, #tpu.memory_space<vmem>> -> memref<1x128x64xf32, #tpu.memory_space<vmem>>
      %dma_start3A_1052 = tpu.memref_squeeze %dma_start3A_1051 : memref<1x128x64xf32, #tpu.memory_space<vmem>> -> memref<128x64xf32, #tpu.memory_space<vmem>>
      %dma_start3A_1053 = arith.constant 0 : i32
      %dma_start3A_1054 = tpu.memref_slice %arg4[%add3A_1047, %dma_start3A_1053] : memref<819200x64xf32, #tpu.memory_space<hbm>> -> memref<128x64xf32, #tpu.memory_space<hbm>>
      %dma_start3A_1055 = arith.constant 0 : i32
      %dma_start3A_1056 = tpu.memref_slice %arg4[%add3A_1047, %dma_start3A_1055] : memref<819200x64xf32, #tpu.memory_space<hbm>> -> memref<128x64xf32, #tpu.memory_space<hbm>>
      %dma_start3A_1057 = arith.constant 0 : i32
      %dma_start3A_1058 = arith.constant 0 : i32
      %dma_start3A_1059 = tpu.memref_slice %arg6[%dma_start3A_1048, %dma_start3A_1057, %dma_start3A_1058] : memref<10x128x64xf32, #tpu.memory_space<vmem>> -> memref<1x128x64xf32, #tpu.memory_space<vmem>>
      %dma_start3A_1060 = tpu.memref_squeeze %dma_start3A_1059 : memref<1x128x64xf32, #tpu.memory_space<vmem>> -> memref<128x64xf32, #tpu.memory_space<vmem>>
      tpu.enqueue_dma source(%dma_start3A_1060 : memref<128x64xf32, #tpu.memory_space<vmem>>) target(%dma_start3A_1056 : memref<128x64xf32, #tpu.memory_space<hbm>>) target_semaphore(%arg10 : memref<!tpu.dma_semaphore, #tpu.memory_space<semaphore_mem>>)
      %mul3A_1061 = arith.constant 5 : i32
      %mul3A_1062 = arith.muli %add3A_735, %mul3A_1061 : i32
      %add3A_1063 = arith.constant 2 : i32
      %add3A_1064 = arith.addi %mul3A_1062, %add3A_1063 : i32
      %mul3A_1065 = arith.constant 128 : i32
      %mul3A_1066 = arith.muli %add3A_1064, %mul3A_1065 : i32
      %add3A_1067 = arith.addi %mul3A_2, %mul3A_1066 : i32
      %dma_start3A_1068 = arith.constant 7 : i32
      %dma_start3A_1069 = arith.constant 0 : i32
      %dma_start3A_1070 = arith.constant 0 : i32
      %dma_start3A_1071 = tpu.memref_slice %arg6[%dma_start3A_1068, %dma_start3A_1069, %dma_start3A_1070] : memref<10x128x64xf32, #tpu.memory_space<vmem>> -> memref<1x128x64xf32, #tpu.memory_space<vmem>>
      %dma_start3A_1072 = tpu.memref_squeeze %dma_start3A_1071 : memref<1x128x64xf32, #tpu.memory_space<vmem>> -> memref<128x64xf32, #tpu.memory_space<vmem>>
      %dma_start3A_1073 = arith.constant 0 : i32
      %dma_start3A_1074 = tpu.memref_slice %arg4[%add3A_1067, %dma_start3A_1073] : memref<819200x64xf32, #tpu.memory_space<hbm>> -> memref<128x64xf32, #tpu.memory_space<hbm>>
      %dma_start3A_1075 = arith.constant 0 : i32
      %dma_start3A_1076 = tpu.memref_slice %arg4[%add3A_1067, %dma_start3A_1075] : memref<819200x64xf32, #tpu.memory_space<hbm>> -> memref<128x64xf32, #tpu.memory_space<hbm>>
      %dma_start3A_1077 = arith.constant 0 : i32
      %dma_start3A_1078 = arith.constant 0 : i32
      %dma_start3A_1079 = tpu.memref_slice %arg6[%dma_start3A_1068, %dma_start3A_1077, %dma_start3A_1078] : memref<10x128x64xf32, #tpu.memory_space<vmem>> -> memref<1x128x64xf32, #tpu.memory_space<vmem>>
      %dma_start3A_1080 = tpu.memref_squeeze %dma_start3A_1079 : memref<1x128x64xf32, #tpu.memory_space<vmem>> -> memref<128x64xf32, #tpu.memory_space<vmem>>
      tpu.enqueue_dma source(%dma_start3A_1080 : memref<128x64xf32, #tpu.memory_space<vmem>>) target(%dma_start3A_1076 : memref<128x64xf32, #tpu.memory_space<hbm>>) target_semaphore(%arg10 : memref<!tpu.dma_semaphore, #tpu.memory_space<semaphore_mem>>)
      %mul3A_1081 = arith.constant 5 : i32
      %mul3A_1082 = arith.muli %add3A_735, %mul3A_1081 : i32
      %add3A_1083 = arith.constant 3 : i32
      %add3A_1084 = arith.addi %mul3A_1082, %add3A_1083 : i32
      %mul3A_1085 = arith.constant 128 : i32
      %mul3A_1086 = arith.muli %add3A_1084, %mul3A_1085 : i32
      %add3A_1087 = arith.addi %mul3A_2, %mul3A_1086 : i32
      %dma_start3A_1088 = arith.constant 8 : i32
      %dma_start3A_1089 = arith.constant 0 : i32
      %dma_start3A_1090 = arith.constant 0 : i32
      %dma_start3A_1091 = tpu.memref_slice %arg6[%dma_start3A_1088, %dma_start3A_1089, %dma_start3A_1090] : memref<10x128x64xf32, #tpu.memory_space<vmem>> -> memref<1x128x64xf32, #tpu.memory_space<vmem>>
      %dma_start3A_1092 = tpu.memref_squeeze %dma_start3A_1091 : memref<1x128x64xf32, #tpu.memory_space<vmem>> -> memref<128x64xf32, #tpu.memory_space<vmem>>
      %dma_start3A_1093 = arith.constant 0 : i32
      %dma_start3A_1094 = tpu.memref_slice %arg4[%add3A_1087, %dma_start3A_1093] : memref<819200x64xf32, #tpu.memory_space<hbm>> -> memref<128x64xf32, #tpu.memory_space<hbm>>
      %dma_start3A_1095 = arith.constant 0 : i32
      %dma_start3A_1096 = tpu.memref_slice %arg4[%add3A_1087, %dma_start3A_1095] : memref<819200x64xf32, #tpu.memory_space<hbm>> -> memref<128x64xf32, #tpu.memory_space<hbm>>
      %dma_start3A_1097 = arith.constant 0 : i32
      %dma_start3A_1098 = arith.constant 0 : i32
      %dma_start3A_1099 = tpu.memref_slice %arg6[%dma_start3A_1088, %dma_start3A_1097, %dma_start3A_1098] : memref<10x128x64xf32, #tpu.memory_space<vmem>> -> memref<1x128x64xf32, #tpu.memory_space<vmem>>
      %dma_start3A_1100 = tpu.memref_squeeze %dma_start3A_1099 : memref<1x128x64xf32, #tpu.memory_space<vmem>> -> memref<128x64xf32, #tpu.memory_space<vmem>>
      tpu.enqueue_dma source(%dma_start3A_1100 : memref<128x64xf32, #tpu.memory_space<vmem>>) target(%dma_start3A_1096 : memref<128x64xf32, #tpu.memory_space<hbm>>) target_semaphore(%arg10 : memref<!tpu.dma_semaphore, #tpu.memory_space<semaphore_mem>>)
      %mul3A_1101 = arith.constant 5 : i32
      %mul3A_1102 = arith.muli %add3A_735, %mul3A_1101 : i32
      %add3A_1103 = arith.constant 4 : i32
      %add3A_1104 = arith.addi %mul3A_1102, %add3A_1103 : i32
      %mul3A_1105 = arith.constant 128 : i32
      %mul3A_1106 = arith.muli %add3A_1104, %mul3A_1105 : i32
      %add3A_1107 = arith.addi %mul3A_2, %mul3A_1106 : i32
      %dma_start3A_1108 = arith.constant 9 : i32
      %dma_start3A_1109 = arith.constant 0 : i32
      %dma_start3A_1110 = arith.constant 0 : i32
      %dma_start3A_1111 = tpu.memref_slice %arg6[%dma_start3A_1108, %dma_start3A_1109, %dma_start3A_1110] : memref<10x128x64xf32, #tpu.memory_space<vmem>> -> memref<1x128x64xf32, #tpu.memory_space<vmem>>
      %dma_start3A_1112 = tpu.memref_squeeze %dma_start3A_1111 : memref<1x128x64xf32, #tpu.memory_space<vmem>> -> memref<128x64xf32, #tpu.memory_space<vmem>>
      %dma_start3A_1113 = arith.constant 0 : i32
      %dma_start3A_1114 = tpu.memref_slice %arg4[%add3A_1107, %dma_start3A_1113] : memref<819200x64xf32, #tpu.memory_space<hbm>> -> memref<128x64xf32, #tpu.memory_space<hbm>>
      %dma_start3A_1115 = arith.constant 0 : i32
      %dma_start3A_1116 = tpu.memref_slice %arg4[%add3A_1107, %dma_start3A_1115] : memref<819200x64xf32, #tpu.memory_space<hbm>> -> memref<128x64xf32, #tpu.memory_space<hbm>>
      %dma_start3A_1117 = arith.constant 0 : i32
      %dma_start3A_1118 = arith.constant 0 : i32
      %dma_start3A_1119 = tpu.memref_slice %arg6[%dma_start3A_1108, %dma_start3A_1117, %dma_start3A_1118] : memref<10x128x64xf32, #tpu.memory_space<vmem>> -> memref<1x128x64xf32, #tpu.memory_space<vmem>>
      %dma_start3A_1120 = tpu.memref_squeeze %dma_start3A_1119 : memref<1x128x64xf32, #tpu.memory_space<vmem>> -> memref<128x64xf32, #tpu.memory_space<vmem>>
      tpu.enqueue_dma source(%dma_start3A_1120 : memref<128x64xf32, #tpu.memory_space<vmem>>) target(%dma_start3A_1116 : memref<128x64xf32, #tpu.memory_space<hbm>>) target_semaphore(%arg10 : memref<!tpu.dma_semaphore, #tpu.memory_space<semaphore_mem>>)
    }
    %scan3A_395 = arith.constant 19 : i32
    %dma_wait3A_396 = arith.constant 0 : i32
    %dma_wait3A_397 = arith.constant 0 : i32
    %dma_wait3A_398 = arith.constant 0 : i32
    %dma_wait3A_399 = tpu.memref_slice %arg6[%dma_wait3A_396, %dma_wait3A_397, %dma_wait3A_398] : memref<10x128x64xf32, #tpu.memory_space<vmem>> -> memref<1x128x64xf32, #tpu.memory_space<vmem>>
    %dma_wait3A_400 = tpu.memref_squeeze %dma_wait3A_399 : memref<1x128x64xf32, #tpu.memory_space<vmem>> -> memref<128x64xf32, #tpu.memory_space<vmem>>
    %dma_wait3A_401 = arith.constant 0 : i32
    %dma_wait3A_402 = tpu.memref_slice %arg4[%mul3A_2, %dma_wait3A_401] : memref<819200x64xf32, #tpu.memory_space<hbm>> -> memref<128x64xf32, #tpu.memory_space<hbm>>
    %dma_wait3A_403 = arith.constant 0 : i32
    %dma_wait3A_404 = tpu.memref_slice %arg4[%mul3A_2, %dma_wait3A_403] : memref<819200x64xf32, #tpu.memory_space<hbm>> -> memref<128x64xf32, #tpu.memory_space<hbm>>
    %dma_wait3A_405 = arith.constant 0 : i32
    %dma_wait3A_406 = arith.constant 0 : i32
    %dma_wait3A_407 = tpu.memref_slice %arg6[%dma_wait3A_396, %dma_wait3A_405, %dma_wait3A_406] : memref<10x128x64xf32, #tpu.memory_space<vmem>> -> memref<1x128x64xf32, #tpu.memory_space<vmem>>
    %dma_wait3A_408 = tpu.memref_squeeze %dma_wait3A_407 : memref<1x128x64xf32, #tpu.memory_space<vmem>> -> memref<128x64xf32, #tpu.memory_space<vmem>>
    tpu.wait_dma2 semaphore(%arg9 : memref<!tpu.dma_semaphore, #tpu.memory_space<semaphore_mem>>) src(%dma_wait3A_408 : memref<128x64xf32, #tpu.memory_space<vmem>>) dst(%dma_wait3A_404 : memref<128x64xf32, #tpu.memory_space<hbm>>)
    %dma_wait3A_409 = arith.constant 0 : i32
    %dma_wait3A_410 = arith.constant 0 : i32
    %dma_wait3A_411 = arith.constant 0 : i32
    %dma_wait3A_412 = tpu.memref_slice %arg6[%dma_wait3A_409, %dma_wait3A_410, %dma_wait3A_411] : memref<10x128x64xf32, #tpu.memory_space<vmem>> -> memref<1x128x64xf32, #tpu.memory_space<vmem>>
    %dma_wait3A_413 = tpu.memref_squeeze %dma_wait3A_412 : memref<1x128x64xf32, #tpu.memory_space<vmem>> -> memref<128x64xf32, #tpu.memory_space<vmem>>
    %dma_wait3A_414 = arith.constant 0 : i32
    %dma_wait3A_415 = tpu.memref_slice %arg4[%mul3A_2, %dma_wait3A_414] : memref<819200x64xf32, #tpu.memory_space<hbm>> -> memref<128x64xf32, #tpu.memory_space<hbm>>
    %dma_wait3A_416 = arith.constant 0 : i32
    %dma_wait3A_417 = tpu.memref_slice %arg4[%mul3A_2, %dma_wait3A_416] : memref<819200x64xf32, #tpu.memory_space<hbm>> -> memref<128x64xf32, #tpu.memory_space<hbm>>
    %dma_wait3A_418 = arith.constant 0 : i32
    %dma_wait3A_419 = arith.constant 0 : i32
    %dma_wait3A_420 = tpu.memref_slice %arg6[%dma_wait3A_409, %dma_wait3A_418, %dma_wait3A_419] : memref<10x128x64xf32, #tpu.memory_space<vmem>> -> memref<1x128x64xf32, #tpu.memory_space<vmem>>
    %dma_wait3A_421 = tpu.memref_squeeze %dma_wait3A_420 : memref<1x128x64xf32, #tpu.memory_space<vmem>> -> memref<128x64xf32, #tpu.memory_space<vmem>>
    tpu.wait_dma2 semaphore(%arg9 : memref<!tpu.dma_semaphore, #tpu.memory_space<semaphore_mem>>) src(%dma_wait3A_421 : memref<128x64xf32, #tpu.memory_space<vmem>>) dst(%dma_wait3A_417 : memref<128x64xf32, #tpu.memory_space<hbm>>)
    %dma_wait3A_422 = arith.constant 0 : i32
    %dma_wait3A_423 = arith.constant 0 : i32
    %dma_wait3A_424 = arith.constant 0 : i32
    %dma_wait3A_425 = tpu.memref_slice %arg6[%dma_wait3A_422, %dma_wait3A_423, %dma_wait3A_424] : memref<10x128x64xf32, #tpu.memory_space<vmem>> -> memref<1x128x64xf32, #tpu.memory_space<vmem>>
    %dma_wait3A_426 = tpu.memref_squeeze %dma_wait3A_425 : memref<1x128x64xf32, #tpu.memory_space<vmem>> -> memref<128x64xf32, #tpu.memory_space<vmem>>
    %dma_wait3A_427 = arith.constant 0 : i32
    %dma_wait3A_428 = tpu.memref_slice %arg4[%mul3A_2, %dma_wait3A_427] : memref<819200x64xf32, #tpu.memory_space<hbm>> -> memref<128x64xf32, #tpu.memory_space<hbm>>
    %dma_wait3A_429 = arith.constant 0 : i32
    %dma_wait3A_430 = tpu.memref_slice %arg4[%mul3A_2, %dma_wait3A_429] : memref<819200x64xf32, #tpu.memory_space<hbm>> -> memref<128x64xf32, #tpu.memory_space<hbm>>
    %dma_wait3A_431 = arith.constant 0 : i32
    %dma_wait3A_432 = arith.constant 0 : i32
    %dma_wait3A_433 = tpu.memref_slice %arg6[%dma_wait3A_422, %dma_wait3A_431, %dma_wait3A_432] : memref<10x128x64xf32, #tpu.memory_space<vmem>> -> memref<1x128x64xf32, #tpu.memory_space<vmem>>
    %dma_wait3A_434 = tpu.memref_squeeze %dma_wait3A_433 : memref<1x128x64xf32, #tpu.memory_space<vmem>> -> memref<128x64xf32, #tpu.memory_space<vmem>>
    tpu.wait_dma2 semaphore(%arg9 : memref<!tpu.dma_semaphore, #tpu.memory_space<semaphore_mem>>) src(%dma_wait3A_434 : memref<128x64xf32, #tpu.memory_space<vmem>>) dst(%dma_wait3A_430 : memref<128x64xf32, #tpu.memory_space<hbm>>)
    %dma_wait3A_435 = arith.constant 0 : i32
    %dma_wait3A_436 = arith.constant 0 : i32
    %dma_wait3A_437 = arith.constant 0 : i32
    %dma_wait3A_438 = tpu.memref_slice %arg6[%dma_wait3A_435, %dma_wait3A_436, %dma_wait3A_437] : memref<10x128x64xf32, #tpu.memory_space<vmem>> -> memref<1x128x64xf32, #tpu.memory_space<vmem>>
    %dma_wait3A_439 = tpu.memref_squeeze %dma_wait3A_438 : memref<1x128x64xf32, #tpu.memory_space<vmem>> -> memref<128x64xf32, #tpu.memory_space<vmem>>
    %dma_wait3A_440 = arith.constant 0 : i32
    %dma_wait3A_441 = tpu.memref_slice %arg4[%mul3A_2, %dma_wait3A_440] : memref<819200x64xf32, #tpu.memory_space<hbm>> -> memref<128x64xf32, #tpu.memory_space<hbm>>
    %dma_wait3A_442 = arith.constant 0 : i32
    %dma_wait3A_443 = tpu.memref_slice %arg4[%mul3A_2, %dma_wait3A_442] : memref<819200x64xf32, #tpu.memory_space<hbm>> -> memref<128x64xf32, #tpu.memory_space<hbm>>
    %dma_wait3A_444 = arith.constant 0 : i32
    %dma_wait3A_445 = arith.constant 0 : i32
    %dma_wait3A_446 = tpu.memref_slice %arg6[%dma_wait3A_435, %dma_wait3A_444, %dma_wait3A_445] : memref<10x128x64xf32, #tpu.memory_space<vmem>> -> memref<1x128x64xf32, #tpu.memory_space<vmem>>
    %dma_wait3A_447 = tpu.memref_squeeze %dma_wait3A_446 : memref<1x128x64xf32, #tpu.memory_space<vmem>> -> memref<128x64xf32, #tpu.memory_space<vmem>>
    tpu.wait_dma2 semaphore(%arg9 : memref<!tpu.dma_semaphore, #tpu.memory_space<semaphore_mem>>) src(%dma_wait3A_447 : memref<128x64xf32, #tpu.memory_space<vmem>>) dst(%dma_wait3A_443 : memref<128x64xf32, #tpu.memory_space<hbm>>)
    %dma_wait3A_448 = arith.constant 0 : i32
    %dma_wait3A_449 = arith.constant 0 : i32
    %dma_wait3A_450 = arith.constant 0 : i32
    %dma_wait3A_451 = tpu.memref_slice %arg6[%dma_wait3A_448, %dma_wait3A_449, %dma_wait3A_450] : memref<10x128x64xf32, #tpu.memory_space<vmem>> -> memref<1x128x64xf32, #tpu.memory_space<vmem>>
    %dma_wait3A_452 = tpu.memref_squeeze %dma_wait3A_451 : memref<1x128x64xf32, #tpu.memory_space<vmem>> -> memref<128x64xf32, #tpu.memory_space<vmem>>
    %dma_wait3A_453 = arith.constant 0 : i32
    %dma_wait3A_454 = tpu.memref_slice %arg4[%mul3A_2, %dma_wait3A_453] : memref<819200x64xf32, #tpu.memory_space<hbm>> -> memref<128x64xf32, #tpu.memory_space<hbm>>
    %dma_wait3A_455 = arith.constant 0 : i32
    %dma_wait3A_456 = tpu.memref_slice %arg4[%mul3A_2, %dma_wait3A_455] : memref<819200x64xf32, #tpu.memory_space<hbm>> -> memref<128x64xf32, #tpu.memory_space<hbm>>
    %dma_wait3A_457 = arith.constant 0 : i32
    %dma_wait3A_458 = arith.constant 0 : i32
    %dma_wait3A_459 = tpu.memref_slice %arg6[%dma_wait3A_448, %dma_wait3A_457, %dma_wait3A_458] : memref<10x128x64xf32, #tpu.memory_space<vmem>> -> memref<1x128x64xf32, #tpu.memory_space<vmem>>
    %dma_wait3A_460 = tpu.memref_squeeze %dma_wait3A_459 : memref<1x128x64xf32, #tpu.memory_space<vmem>> -> memref<128x64xf32, #tpu.memory_space<vmem>>
    tpu.wait_dma2 semaphore(%arg9 : memref<!tpu.dma_semaphore, #tpu.memory_space<semaphore_mem>>) src(%dma_wait3A_460 : memref<128x64xf32, #tpu.memory_space<vmem>>) dst(%dma_wait3A_456 : memref<128x64xf32, #tpu.memory_space<hbm>>)
    %dma_wait3A_461 = arith.constant 0 : i32
    %dma_wait3A_462 = arith.constant 0 : i32
    %dma_wait3A_463 = arith.constant 0 : i32
    %dma_wait3A_464 = tpu.memref_slice %arg6[%dma_wait3A_461, %dma_wait3A_462, %dma_wait3A_463] : memref<10x128x64xf32, #tpu.memory_space<vmem>> -> memref<1x128x64xf32, #tpu.memory_space<vmem>>
    %dma_wait3A_465 = tpu.memref_squeeze %dma_wait3A_464 : memref<1x128x64xf32, #tpu.memory_space<vmem>> -> memref<128x64xf32, #tpu.memory_space<vmem>>
    %dma_wait3A_466 = arith.constant 0 : i32
    %dma_wait3A_467 = tpu.memref_slice %arg4[%mul3A_2, %dma_wait3A_466] : memref<819200x64xf32, #tpu.memory_space<hbm>> -> memref<128x64xf32, #tpu.memory_space<hbm>>
    %dma_wait3A_468 = arith.constant 0 : i32
    %dma_wait3A_469 = tpu.memref_slice %arg4[%mul3A_2, %dma_wait3A_468] : memref<819200x64xf32, #tpu.memory_space<hbm>> -> memref<128x64xf32, #tpu.memory_space<hbm>>
    %dma_wait3A_470 = arith.constant 0 : i32
    %dma_wait3A_471 = arith.constant 0 : i32
    %dma_wait3A_472 = tpu.memref_slice %arg6[%dma_wait3A_461, %dma_wait3A_470, %dma_wait3A_471] : memref<10x128x64xf32, #tpu.memory_space<vmem>> -> memref<1x128x64xf32, #tpu.memory_space<vmem>>
    %dma_wait3A_473 = tpu.memref_squeeze %dma_wait3A_472 : memref<1x128x64xf32, #tpu.memory_space<vmem>> -> memref<128x64xf32, #tpu.memory_space<vmem>>
    tpu.wait_dma2 semaphore(%arg10 : memref<!tpu.dma_semaphore, #tpu.memory_space<semaphore_mem>>) src(%dma_wait3A_473 : memref<128x64xf32, #tpu.memory_space<vmem>>) dst(%dma_wait3A_469 : memref<128x64xf32, #tpu.memory_space<hbm>>)
    %dma_wait3A_474 = arith.constant 0 : i32
    %dma_wait3A_475 = arith.constant 0 : i32
    %dma_wait3A_476 = arith.constant 0 : i32
    %dma_wait3A_477 = tpu.memref_slice %arg6[%dma_wait3A_474, %dma_wait3A_475, %dma_wait3A_476] : memref<10x128x64xf32, #tpu.memory_space<vmem>> -> memref<1x128x64xf32, #tpu.memory_space<vmem>>
    %dma_wait3A_478 = tpu.memref_squeeze %dma_wait3A_477 : memref<1x128x64xf32, #tpu.memory_space<vmem>> -> memref<128x64xf32, #tpu.memory_space<vmem>>
    %dma_wait3A_479 = arith.constant 0 : i32
    %dma_wait3A_480 = tpu.memref_slice %arg4[%mul3A_2, %dma_wait3A_479] : memref<819200x64xf32, #tpu.memory_space<hbm>> -> memref<128x64xf32, #tpu.memory_space<hbm>>
    %dma_wait3A_481 = arith.constant 0 : i32
    %dma_wait3A_482 = tpu.memref_slice %arg4[%mul3A_2, %dma_wait3A_481] : memref<819200x64xf32, #tpu.memory_space<hbm>> -> memref<128x64xf32, #tpu.memory_space<hbm>>
    %dma_wait3A_483 = arith.constant 0 : i32
    %dma_wait3A_484 = arith.constant 0 : i32
    %dma_wait3A_485 = tpu.memref_slice %arg6[%dma_wait3A_474, %dma_wait3A_483, %dma_wait3A_484] : memref<10x128x64xf32, #tpu.memory_space<vmem>> -> memref<1x128x64xf32, #tpu.memory_space<vmem>>
    %dma_wait3A_486 = tpu.memref_squeeze %dma_wait3A_485 : memref<1x128x64xf32, #tpu.memory_space<vmem>> -> memref<128x64xf32, #tpu.memory_space<vmem>>
    tpu.wait_dma2 semaphore(%arg10 : memref<!tpu.dma_semaphore, #tpu.memory_space<semaphore_mem>>) src(%dma_wait3A_486 : memref<128x64xf32, #tpu.memory_space<vmem>>) dst(%dma_wait3A_482 : memref<128x64xf32, #tpu.memory_space<hbm>>)
    %dma_wait3A_487 = arith.constant 0 : i32
    %dma_wait3A_488 = arith.constant 0 : i32
    %dma_wait3A_489 = arith.constant 0 : i32
    %dma_wait3A_490 = tpu.memref_slice %arg6[%dma_wait3A_487, %dma_wait3A_488, %dma_wait3A_489] : memref<10x128x64xf32, #tpu.memory_space<vmem>> -> memref<1x128x64xf32, #tpu.memory_space<vmem>>
    %dma_wait3A_491 = tpu.memref_squeeze %dma_wait3A_490 : memref<1x128x64xf32, #tpu.memory_space<vmem>> -> memref<128x64xf32, #tpu.memory_space<vmem>>
    %dma_wait3A_492 = arith.constant 0 : i32
    %dma_wait3A_493 = tpu.memref_slice %arg4[%mul3A_2, %dma_wait3A_492] : memref<819200x64xf32, #tpu.memory_space<hbm>> -> memref<128x64xf32, #tpu.memory_space<hbm>>
    %dma_wait3A_494 = arith.constant 0 : i32
    %dma_wait3A_495 = tpu.memref_slice %arg4[%mul3A_2, %dma_wait3A_494] : memref<819200x64xf32, #tpu.memory_space<hbm>> -> memref<128x64xf32, #tpu.memory_space<hbm>>
    %dma_wait3A_496 = arith.constant 0 : i32
    %dma_wait3A_497 = arith.constant 0 : i32
    %dma_wait3A_498 = tpu.memref_slice %arg6[%dma_wait3A_487, %dma_wait3A_496, %dma_wait3A_497] : memref<10x128x64xf32, #tpu.memory_space<vmem>> -> memref<1x128x64xf32, #tpu.memory_space<vmem>>
    %dma_wait3A_499 = tpu.memref_squeeze %dma_wait3A_498 : memref<1x128x64xf32, #tpu.memory_space<vmem>> -> memref<128x64xf32, #tpu.memory_space<vmem>>
    tpu.wait_dma2 semaphore(%arg10 : memref<!tpu.dma_semaphore, #tpu.memory_space<semaphore_mem>>) src(%dma_wait3A_499 : memref<128x64xf32, #tpu.memory_space<vmem>>) dst(%dma_wait3A_495 : memref<128x64xf32, #tpu.memory_space<hbm>>)
    %dma_wait3A_500 = arith.constant 0 : i32
    %dma_wait3A_501 = arith.constant 0 : i32
    %dma_wait3A_502 = arith.constant 0 : i32
    %dma_wait3A_503 = tpu.memref_slice %arg6[%dma_wait3A_500, %dma_wait3A_501, %dma_wait3A_502] : memref<10x128x64xf32, #tpu.memory_space<vmem>> -> memref<1x128x64xf32, #tpu.memory_space<vmem>>
    %dma_wait3A_504 = tpu.memref_squeeze %dma_wait3A_503 : memref<1x128x64xf32, #tpu.memory_space<vmem>> -> memref<128x64xf32, #tpu.memory_space<vmem>>
    %dma_wait3A_505 = arith.constant 0 : i32
    %dma_wait3A_506 = tpu.memref_slice %arg4[%mul3A_2, %dma_wait3A_505] : memref<819200x64xf32, #tpu.memory_space<hbm>> -> memref<128x64xf32, #tpu.memory_space<hbm>>
    %dma_wait3A_507 = arith.constant 0 : i32
    %dma_wait3A_508 = tpu.memref_slice %arg4[%mul3A_2, %dma_wait3A_507] : memref<819200x64xf32, #tpu.memory_space<hbm>> -> memref<128x64xf32, #tpu.memory_space<hbm>>
    %dma_wait3A_509 = arith.constant 0 : i32
    %dma_wait3A_510 = arith.constant 0 : i32
    %dma_wait3A_511 = tpu.memref_slice %arg6[%dma_wait3A_500, %dma_wait3A_509, %dma_wait3A_510] : memref<10x128x64xf32, #tpu.memory_space<vmem>> -> memref<1x128x64xf32, #tpu.memory_space<vmem>>
    %dma_wait3A_512 = tpu.memref_squeeze %dma_wait3A_511 : memref<1x128x64xf32, #tpu.memory_space<vmem>> -> memref<128x64xf32, #tpu.memory_space<vmem>>
    tpu.wait_dma2 semaphore(%arg10 : memref<!tpu.dma_semaphore, #tpu.memory_space<semaphore_mem>>) src(%dma_wait3A_512 : memref<128x64xf32, #tpu.memory_space<vmem>>) dst(%dma_wait3A_508 : memref<128x64xf32, #tpu.memory_space<hbm>>)
    %dma_wait3A_513 = arith.constant 0 : i32
    %dma_wait3A_514 = arith.constant 0 : i32
    %dma_wait3A_515 = arith.constant 0 : i32
    %dma_wait3A_516 = tpu.memref_slice %arg6[%dma_wait3A_513, %dma_wait3A_514, %dma_wait3A_515] : memref<10x128x64xf32, #tpu.memory_space<vmem>> -> memref<1x128x64xf32, #tpu.memory_space<vmem>>
    %dma_wait3A_517 = tpu.memref_squeeze %dma_wait3A_516 : memref<1x128x64xf32, #tpu.memory_space<vmem>> -> memref<128x64xf32, #tpu.memory_space<vmem>>
    %dma_wait3A_518 = arith.constant 0 : i32
    %dma_wait3A_519 = tpu.memref_slice %arg4[%mul3A_2, %dma_wait3A_518] : memref<819200x64xf32, #tpu.memory_space<hbm>> -> memref<128x64xf32, #tpu.memory_space<hbm>>
    %dma_wait3A_520 = arith.constant 0 : i32
    %dma_wait3A_521 = tpu.memref_slice %arg4[%mul3A_2, %dma_wait3A_520] : memref<819200x64xf32, #tpu.memory_space<hbm>> -> memref<128x64xf32, #tpu.memory_space<hbm>>
    %dma_wait3A_522 = arith.constant 0 : i32
    %dma_wait3A_523 = arith.constant 0 : i32
    %dma_wait3A_524 = tpu.memref_slice %arg6[%dma_wait3A_513, %dma_wait3A_522, %dma_wait3A_523] : memref<10x128x64xf32, #tpu.memory_space<vmem>> -> memref<1x128x64xf32, #tpu.memory_space<vmem>>
    %dma_wait3A_525 = tpu.memref_squeeze %dma_wait3A_524 : memref<1x128x64xf32, #tpu.memory_space<vmem>> -> memref<128x64xf32, #tpu.memory_space<vmem>>
    tpu.wait_dma2 semaphore(%arg10 : memref<!tpu.dma_semaphore, #tpu.memory_space<semaphore_mem>>) src(%dma_wait3A_525 : memref<128x64xf32, #tpu.memory_space<vmem>>) dst(%dma_wait3A_521 : memref<128x64xf32, #tpu.memory_space<hbm>>)
    return
  }
}

</mosaic_0001>

<sc_bundles>
// kernel: kernel.3.cloned.1.call-start
scs
__scs_entry_jumppad:
0x0: {  	(pc) =	sbr.rel $0x88, $3  }
0x1: {  	(tag) =	ssettag $0x0;
	lr =	simm.s32 $0x1  }
0x2: {  	[smem:$0x3F9F] =	sst lr;
	_ =	strace $0xD0000000  }
0x3: {  	_ = 	snop  }
0x4: {  	_ = 	snop  }
0x5: {  	_ = 	snop  }
0x6: {  	_ = 	snop  }
0x7: {  	_ = 	snop  }
__scs_overlays_trampoline_lowered:
0x8: {  	[smem:$0x3FAE] =	sst s0  }
0x9: {  	[smem:$0x3FAF] =	sst s1  }
0xa: {  	[smem:$0x3FB0] =	sst s2  }
0xb: {  	[smem:$0x3FB1] =	sst s3  }
0xc: {  	[smem:$0x3FB2] =	sst s4  }
0xd: {  	[smem:$0x3FB3] =	sst s5  }
0xe: {  	[smem:$0x3FB4] =	sst s6  }
0xf: {  	[smem:$0x3FB5] =	sst s7  }
0x10: {  	[smem:$0x3FB6] =	sst s8  }
0x11: {  	[smem:$0x3FB7] =	sst s9;
	s0 =	simm.s32 @!p0 $0x0  }
0x12: {  	s1 =	sld [smem:$0x3F9D];
	s0 =	simm.s32 @p0 $0x1  }
0x13: {  	[smem:$0x3FB8] =	sst s0;
	s0 =	simm.s32 @!p1 $0x0  }
0x14: {  	s2 =	sld [smem:$0x3F9C];
	s0 =	simm.s32 @p1 $0x1  }
0x15: {  	[smem:$0x3FB9] =	sst s0;
	s0 =	simm.s32 @!p2 $0x0  }
0x16: {  	s3 =	sld [smem:$0x3FDB];
	s0 =	simm.s32 @p2 $0x1  }
0x17: {  	s4 =	simm.s32 $0x1BF5;
	[smem:$0x3FBB] =	sst s0  }
0x18: {  	s0 =	sld [smem:$0x3F9E];
	_ =	swait.ge [sflag:s4], $0x0  }
0x19: {  	s7 =	sld [smem:$0x3F9F]  }
0x1a: {  	s8 =	sadd.s32 $0xFFFFE003, lr  }
0x1b: {  	s9 =	sadd.s32 $0xFFFFFEF7, lr;
	s5 =	simm.s32 $0xFFFFFFFF;
	p2 =	slt.u32 s8, $0xFFFFF086  }
0x1c: {  	p1 =	slt.u32 s9, $0xF7A;
	s5 =	simm.s32 @!p2 $0x0  }
0x1d: {  	s5 =	simm.s32 @p1 $0x1;
	p0 =	seq.s32 s7, s2  }
0x1e: {  	s7 =	smul.u32 @!p0 $0xF7A, s2;
	p2 =	seq.s32 @!p0 s5, $0x0  }
0x1f: {  	s9 =	smul.u32 $0xF7A, s1;
	s8 =	simm.s32 @!p0 $0x1BF5;
	p2 =	por !p2, p0  }
0x20: {  	[sflag:s8] =	ssyncset.s32 @!p0 $0xFFFFF086;
	s6 =	sadd.s32 @!p0 s3, s7;
	s7 =	simm.s32 @!p0 $0x108  }
0x21: {  	s3 =	sadd.s32 s3, s9;
	s6 =	sadd.s32 @!p0 $0x88, s6;
	s7 =	simm.s32 @p2 $0x1082  }
0x22: {  	[simem:s7], [sflag:s8] =	dma.local @!p0 [hbm:s6], $0xF7A  }
0x23: {  	s9 =	sor.u32 $0xD0000000, s2;
	s6 =	simm.s32 $0x108;
	_ =	swait.ge @!p0 [sflag:s8], $0x0  }
0x24: {  	s3 =	sadd.s32 $0x88, s3;
	s6 =	simm.s32 @!p1 $0x1082;
	[sflag:s4] =	ssyncset.s32 $0xFFFFF086  }
0x25: {  	[simem:s6], [sflag:s4] =	dma.local [hbm:s3], $0xF7A  }
0x26: {  	[smem:$0x3F9F] =	sst s1;
	(tag) =	ssettag s2;
	_ =	strace s9  }
0x27: {  	s1 =	sld [smem:$0x3FAF]  }
0x28: {  	s2 =	sld [smem:$0x3FB0]  }
0x29: {  	s4 =	sld [smem:$0x3FB2]  }
0x2a: {  	p0 =	seq.s32 s5, $0x0;
	s5 =	sld [smem:$0x3FB3]  }
0x2b: {  	s6 =	sld [smem:$0x3FB4]  }
0x2c: {  	s7 =	sld [smem:$0x3FB5]  }
0x2d: {  	s3 =	simm.s32 $0x108;
	s8 =	sld [smem:$0x3FB6]  }
0x2e: {  	s3 =	simm.s32 @!p0 $0x1082;
	s9 =	sld [smem:$0x3FB7]  }
0x2f: {  	lr =	sadd.s32 s0, s3;
	s0 =	sld [smem:$0x3FAE]  }
0x30: {  	s3 =	sld [smem:$0x3FB1]  }
0x31: {  	[smem:$0x3FBA] =	sst s10  }
0x32: {  	s10 =	sld [smem:$0x3FB8];
	_ =	sdelay $0x3  }
0x33: {  	p0 =	seq.s32 s10, $0x1;
	s10 =	sld [smem:$0x3FBA];
	_ =	sdelay $0x3  }
0x34: {  	[smem:$0x3FBA] =	sst s10  }
0x35: {  	s10 =	sld [smem:$0x3FB9];
	_ =	sdelay $0x3  }
0x36: {  	p1 =	seq.s32 s10, $0x1;
	s10 =	sld [smem:$0x3FBA];
	_ =	sdelay $0x3  }
0x37: {  	[smem:$0x3FBA] =	sst s10  }
0x38: {  	s10 =	sld [smem:$0x3FBB]  }
0x39: {  	_ = 	snop;
	(pc) =	sbr.ind lr, $3  }
0x3a: {  	_ = 	snop  }
0x3b: {  	_ = 	snop  }
0x3c: {  	p2 =	seq.s32 s10, $0x1;
	s10 =	sld [smem:$0x3FBA]  }
0x3d: {  	_ =	shalt  }
0x3e: {  	_ =	shalt  }
0x3f: {  	_ =	shalt  }
0x40: {  	_ =	shalt  }
0x41: {  	_ =	shalt  }
0x42: {  	_ =	shalt  }
0x43: {  	_ =	shalt  }
0x44: {  	_ =	shalt  }
0x45: {  	_ =	shalt  }
0x46: {  	_ =	shalt  }
0x47: {  	_ =	shalt  }
0x48: {  	_ =	shalt  }
0x49: {  	_ =	shalt  }
0x4a: {  	_ =	shalt  }
0x4b: {  	_ =	shalt  }
0x4c: {  	_ =	shalt  }
0x4d: {  	_ =	shalt  }
0x4e: {  	_ =	shalt  }
0x4f: {  	_ =	shalt  }
0x50: {  	_ =	shalt  }
0x51: {  	_ =	shalt  }
0x52: {  	_ =	shalt  }
0x53: {  	_ =	shalt  }
0x54: {  	_ =	shalt  }
0x55: {  	_ =	shalt  }
0x56: {  	_ =	shalt  }
0x57: {  	_ =	shalt  }
0x58: {  	_ =	shalt  }
0x59: {  	_ =	shalt  }
0x5a: {  	_ =	shalt  }
0x5b: {  	_ =	shalt  }
0x5c: {  	_ =	shalt  }
0x5d: {  	_ =	shalt  }
0x5e: {  	_ =	shalt  }
0x5f: {  	_ =	shalt  }
0x60: {  	_ =	shalt  }
0x61: {  	_ =	shalt  }
0x62: {  	_ =	shalt  }
0x63: {  	_ =	shalt  }
0x64: {  	_ =	shalt  }
0x65: {  	_ =	shalt  }
0x66: {  	_ =	shalt  }
0x67: {  	_ =	shalt  }
0x68: {  	_ =	shalt  }
0x69: {  	_ =	shalt  }
0x6a: {  	_ =	shalt  }
0x6b: {  	_ =	shalt  }
0x6c: {  	_ =	shalt  }
0x6d: {  	_ =	shalt  }
0x6e: {  	_ =	shalt  }
0x6f: {  	_ =	shalt  }
0x70: {  	_ =	shalt  }
0x71: {  	_ =	shalt  }
0x72: {  	_ =	shalt  }
0x73: {  	_ =	shalt  }
0x74: {  	_ =	shalt  }
0x75: {  	_ =	shalt  }
0x76: {  	_ =	shalt  }
0x77: {  	_ =	shalt  }
0x78: {  	_ =	shalt  }
0x79: {  	_ =	shalt  }
0x7a: {  	_ =	shalt  }
0x7b: {  	_ =	shalt  }
0x7c: {  	_ =	shalt  }
0x7d: {  	_ =	shalt  }
0x7e: {  	_ =	shalt  }
0x7f: {  	_ =	shalt  }
0x80: {  	_ =	shalt  }
0x81: {  	_ =	shalt  }
0x82: {  	_ =	shalt  }
0x83: {  	_ =	shalt  }
0x84: {  	_ =	shalt  }
0x85: {  	_ =	shalt  }
0x86: {  	_ =	shalt  }
0x87: {  	_ =	shalt  }
.Lfunc_end0:
.L_simem_size_0:
called_computation.1_lowered:
.L_overlay_start_0:
0x88: {  	s2 =	sld [smem:$0x3FD9]  }
0x89: {  	s3 =	sld [smem:$0x3FFE];
	_ =	sdelay $0x1  }
0x8a: {  	s1 =	srdreg.scid  }
0x8b: {  	s0 =	sand.u32 $0x1, s1  }
0x8c: {  	s17 =	sshll.u32 s0, $0xA;
	s2 =	sadd.s32 s3, s2  }
0x8d: {  	s2 =	sadd.s32 s2, s17  }
0x8e: {  	[smem:$0x3FC6] =	sst s2  }
0x8f: {  	_ = 	snop  }
0x90: {  	s2 =	sld [smem:$0x3FD0];
	(tm) =	ssettm $0x1  }
0x91: {  	s18 =	sld [smem:$0x3FFB];
	_ =	sdelay $0x3  }
0x92: {  	_ =	strace s18  }
0x93: {  	s3 =	sld [smem:$0x3FFC];
	_ =	sdelay $0x3  }
0x94: {  	_ =	strace s3  }
0x95: {  	s3 =	sld [smem:$0x3FFD];
	_ =	sdelay $0x3  }
0x96: {  	_ =	strace s3  }
0x97: {  	_ =	strace $0x8FFFFFFF  }
0x98: {  	s19 =	sld [smem:$0x3FDB];
	_ =	sdelay $0x1  }
0x99: {  	s4 =	simm.s32 $_scs_section_size  }
0x9a: {  	s5 =	simm.s32 $_size__tile_overlayer_lowered;
	s6 =	simm.s32 $_tile_overlayer_lowered  }
0x9b: {  	s22 =	simm.s32 $0x1BFF;
	s21 =	sshll.u32 s6, $0x1;
	s3 =	sadd.s32 s4, s19  }
0x9c: {  	s7 =	simm.s32 $0x0;
	s20 =	sshll.u32 s5, $0x1;
	s5 =	sadd.s32 s21, s3  }
0x9d: {  	[timem:s7], [sflag:s22] =	dma.local [hbm:s5], s20  }
0x9e: {  	_ =	swait.ge [sflag:s22], s20  }
0x9f: {  	s4 =	ssub.s32 $0x0, s20;
	[sflag:s22] =	ssyncset.done $0x0  }
0xa0: {  	[sflag:s22] =	ssyncadd.s32 s4;
	_ =	sdelay $0x1  }
0xa1: {  	s23 =	simm.s32 $0x1B8B  }
0xa2: {  	_ =	swait.ge [sflag:s23], $0x1  }
0xa3: {  	[sflag:s23] =	ssyncset.done $0x0  }
0xa4: {  	s25 =	simm.s32 $0x1B8E;
	s24 =	sld [smem:$0x3FFE];
	[sflag:s23] =	ssyncadd.s32 $0xFFFFFFFF  }
0xa5: {  	s26 =	simm.s32 $execute0_lowered;
	[smem:$0x3FD2] =	sst s25  }
0xa6: {  	s5 =	sshll.u32 s26, $0x1;
	_ =	strace $0x80000046;
	[dreg:$0x1] =	wrdreg $0xFFFFFFFF  }
0xa7: {  	s28 =	simm.s32 $_size_execute0_lowered;
	s3 =	sadd.s32 s3, s5;
	[dreg:$0x0] =	wrdreg $0x0  }
0xa8: {  	s5 =	sshll.u32 s28, $0x1;
	[dreg:$0x2] =	wrdreg s3  }
0xa9: {  	[dreg:$0x3] =	wrdreg s5  }
0xaa: {  	[dreg:$0x4] =	wrdreg $0xC0  }
0xab: {  	_ =	task [dreg:s7], $0x5FFFF  }
0xac: {  	[dreg:$0x1] =	wrdreg $0xFFFFFFFF  }
0xad: {  	[dreg:$0x0] =	wrdreg $0x60  }
0xae: {  	[dreg:$0x2] =	wrdreg s24  }
0xaf: {  	[dreg:$0x3] =	wrdreg s2  }
0xb0: {  	[dreg:$0x4] =	wrdreg $0x9  }
0xb1: {  	_ =	task.clear_ibuf [dreg:s7], $0x5FFFF;
	_ =	strace $0x90000046  }
0xb2: {  	s29 =	simm.s32 $0x9;
	_ =	strace $0x80000048  }
0xb3: {  	_ =	swait.ge [sflag:s29], $0x1  }
0xb4: {  	[sflag:s29] =	ssyncadd.s32 $0xFFFFFFFF  }
0xb5: {  	_ =	strace $0x90000048  }
0xb6: {  	_ =	sfence  }
0xb7: {  	s30 =	sld [smem:$0x0];
	_ =	sdelay $0x2  }
0xb8: {  	s31 =	sshll.u32 s1, $0xD;
	s1 =	sshrl.u32 s1, $0x2  }
0xb9: {  	s3 =	sand.u32 $0x4000, s31;
	s1 =	sadd.s32 s1, s30  }
0xba: {  	s0 =	sor.u32 s3, s0;
	s1 =	sshll.u32 s1, $0x11  }
0xbb: {  	s0 =	sor.u32 s1, s0  }
0xbc: {  	s0 =	sadd.s32 $0x8F2B, s0  }
0xbd: {  	[sflag:s0] =	ssyncadd.remote.s32 $0x1  }
0xbe: {  	_ =	sfence.sel $0xFFFF  }
0xbf: {  	[dreg:$0x0] =	wrdreg $0xFFFFFFFF;
	(pc) =	sbr.abs _section_cstart, $3  }
0xc0: {  	[dreg:$0x1] =	wrdreg $0xFFFFFFFF  }
0xc1: {  	_ =	task.clear_ibuf [dreg:s7], $0x2FFFF;
	_ =	strace $0x9FFFFFFF  }
0xc2: {  	(tm) =	ssettm $0x7FFFFFFF  }
0xc3: {  	_ =	shalt  }
tec
execute0_lowered:
.L_overlay_start_1:
0x0: {  	(tag) =	ssettag $0x1  }
0x1: {  	s0 =	srdreg.scid;
	s1 =	rddreg [dreg:$0x0]  }
0x2: {  	s4 =	stileid.u32;
	s5 =	rddreg [dreg:$0x1]  }
0x3: {  	s0 =	sand.u32 $0x1, s0;
	s2 =	sshll.u32 s4, $0x1;
	s4 =	smul.u32 $0xC800, s4  }
0x4: {  	s28 =	simm.s32 $0x10400;
	s6 =	sor.u32 s0, s2;
	s7 =	smul.u32 $0x6400, s0  }
0x5: {  	s30 =	simm.s32 $0x12400;
	s29 =	simm.s32 $0x2;
	s9 =	smul.u32 $0x32000, s6  }
0x6: {  	s31 =	simm.s32 $0x3;
	s2 =	simm.s32 $0x0;
	s0 =	ssub.s32 $0x2, s0  }
0x7: {  	s3 =	smul.u32 $0x6400, s6;
	s7 =	sadd.s32 s7, s4;
	s4 =	sadd.s32 s5, s9  }
0x8: {  	[smem:$0x7FF] =	sst s2;
	s26 =	sshrl.u32 s0, $0x1;
	s12 =	sadd.s32 $0x400, s4  }
0x9: {  	_ =	strace $0x80000047;
	s13 =	sadd.s32 $0x800, s4;
	[dreg:$0xe] =	wrdreg s12  }
0xa: {  	s3 =	sshrl.u32 s3, $0x3;
	s14 =	sadd.s32 $0xC00, s4;
	[dreg:$0xf] =	wrdreg s13  }
0xb: {  	s10 =	sshll.u32 s7, $0x3;
	s16 =	sadd.s32 $0x1000, s4;
	[dreg:$0x10] =	wrdreg s14  }
0xc: {  	s8 =	sadd.s32 s3, s1;
	s18 =	sadd.s32 $0x1400, s4;
	[dreg:$0x11] =	wrdreg s16  }
0xd: {  	s3 =	sadd.s32 $0xF42E00, s1;
	s20 =	sadd.s32 $0x1800, s4;
	[dreg:$0x12] =	wrdreg s18  }
0xe: {  	s1 =	sadd.s32 s5, s10;
	s11 =	sadd.s32 $0xA00, s8;
	[dreg:$0x13] =	wrdreg s20  }
0xf: {  	s6 =	smul.u32 $0x190000, s6;
	s15 =	sadd.s32 $0x2800, s1;
	[dreg:$0xd] =	wrdreg s11  }
0x10: {  	s0 =	ssub.s32 s0, s26;
	s17 =	sadd.s32 $0x3800, s1;
	[dreg:$0x3] =	wrdreg s15  }
0x11: {  	s6 =	sshrl.u32 s6, $0x3;
	s19 =	sadd.s32 $0x3400, s1;
	[dreg:$0x4] =	wrdreg s17  }
0x12: {  	s5 =	sadd.s32 s5, s6;
	s21 =	sadd.s32 $0x3000, s1;
	[dreg:$0x5] =	wrdreg s19  }
0x13: {  	s22 =	sadd.s32 $0x2C00, s1;
	s12 =	sadd.s32 $0x1C00, s4;
	[dreg:$0x6] =	wrdreg s21  }
0x14: {  	s23 =	sadd.s32 $0x3C00, s1;
	s24 =	sadd.s32 $0x4C00, s1;
	[dreg:$0x7] =	wrdreg s22  }
0x15: {  	s25 =	sadd.s32 $0x4800, s1;
	s13 =	sadd.s32 $0x2000, s5;
	[dreg:$0x8] =	wrdreg s23  }
0x16: {  	s26 =	sadd.s32 $0x4400, s1;
	s14 =	sadd.s32 $0x2400, s5;
	[dreg:$0x9] =	wrdreg s24  }
0x17: {  	s1 =	sadd.s32 $0x4000, s1;
	s16 =	simm.s32 $0x5;
	[dreg:$0xa] =	wrdreg s25  }
0x18: {  	s18 =	simm.s32 $0x6400;
	s20 =	simm.s32 $0x16400;
	[dreg:$0xb] =	wrdreg s26  }
0x19: {  	s15 =	smax.u32 s0, $0x1;
	[dreg:$0xc] =	wrdreg s1;
	s17 =	simm.s32 $0x80  }
0x1a: {  	s19 =	simm.s32 $0x8400;
	s21 =	simm.s32 $0xA400;
	s23 =	simm.s32 $0xC400  }
0x1b: {  	s25 =	simm.s32 $0xE400;
	s1 =	simm.s32 $0x14400;
	s24 =	simm.s32 $0x18400  }
0x1c: {  	s26 =	simm.s32 $0x1;
	s0 =	simm.s32 $0x4;
	s22 =	simm.s32 $0x0  }
.LBB2_1:
0x1d: {  	s5 =	rddreg [dreg:$0xd]  }
0x1e: {  	[tilespmem:s2], [sflag:$0x5] =	stream.linear.gather [hbm4b:s5+s2], $0x6400, $0x38;
	[tilespmem:$0x1A400] =	vst v63  }
0x1f: {  	_ =	swait.ge [sflag:s16], $0x6400  }
0x20: {  	[sflag:s16] =	ssyncset.done $0x0  }
0x21: {  	[sflag:s16] =	ssyncadd.s32 $0xFFFF9C00  }
0x22: {  	[tilespmem:s18], [sflag:$0x1] =	stream.indirect.gather [hbm4b:s3+s17], $0x40, s2, s17, $0xb8;
	[tilespmem:$0x1A400] =	vst v63  }
0x23: {  	_ = 	snop  }
0x24: {  	[tilespmem:s19], [sflag:$0x1] =	stream.indirect.gather [hbm4b:s3+s17], $0x40, s17, s17, $0xb8;
	[tilespmem:$0x1A400] =	vst v63  }
0x25: {  	s9 =	simm.s32 $0x100  }
0x26: {  	[tilespmem:s21], [sflag:$0x1] =	stream.indirect.gather [hbm4b:s3+s17], $0x40, s9, s17, $0xb8;
	[tilespmem:$0x1A400] =	vst v63  }
0x27: {  	s10 =	simm.s32 $0x180  }
0x28: {  	[tilespmem:s23], [sflag:$0x1] =	stream.indirect.gather [hbm4b:s3+s17], $0x40, s10, s17, $0xb8;
	[tilespmem:$0x1A400] =	vst v63  }
0x29: {  	s11 =	simm.s32 $0x200  }
0x2a: {  	[tilespmem:s25], [sflag:$0x1] =	stream.indirect.gather [hbm4b:s3+s17], $0x40, s11, s17, $0xb8;
	[tilespmem:$0x1A400] =	vst v63  }
0x2b: {  	s6 =	simm.s32 $0x280  }
0x2c: {  	[tilespmem:s28], [sflag:$0x2] =	stream.indirect.gather [hbm4b:s3+s17], $0x40, s6, s17, $0xb8;
	[tilespmem:$0x1A400] =	vst v63  }
0x2d: {  	s7 =	simm.s32 $0x300  }
0x2e: {  	[tilespmem:s30], [sflag:$0x2] =	stream.indirect.gather [hbm4b:s3+s17], $0x40, s7, s17, $0xb8;
	[tilespmem:$0x1A400] =	vst v63  }
0x2f: {  	s8 =	simm.s32 $0x380  }
0x30: {  	[tilespmem:s1], [sflag:$0x2] =	stream.indirect.gather [hbm4b:s3+s17], $0x40, s8, s17, $0xb8;
	[tilespmem:$0x1A400] =	vst v63  }
0x31: {  	s9 =	simm.s32 $0x400  }
0x32: {  	[tilespmem:s20], [sflag:$0x2] =	stream.indirect.gather [hbm4b:s3+s17], $0x40, s9, s17, $0xb8;
	[tilespmem:$0x1A400] =	vst v63  }
0x33: {  	s10 =	simm.s32 $0x480  }
0x34: {  	[tilespmem:s24], [sflag:$0x2] =	stream.indirect.gather [hbm4b:s3+s17], $0x40, s10, s17, $0xb8;
	[tilespmem:$0x1A400] =	vst v63  }
0x35: {  	_ =	swait.ge [sflag:s26], $0x2000  }
0x36: {  	[sflag:s26] =	ssyncset.done $0x0  }
0x37: {  	[sflag:s26] =	ssyncadd.s32 $0xFFFFE000  }
0x38: {  	_ =	swait.ge [sflag:s26], $0x2000  }
0x39: {  	[sflag:s26] =	ssyncset.done $0x0  }
0x3a: {  	[sflag:s26] =	ssyncadd.s32 $0xFFFFE000  }
0x3b: {  	_ =	swait.ge [sflag:s26], $0x2000  }
0x3c: {  	[sflag:s26] =	ssyncset.done $0x0  }
0x3d: {  	[sflag:s26] =	ssyncadd.s32 $0xFFFFE000  }
0x3e: {  	_ =	swait.ge [sflag:s26], $0x2000  }
0x3f: {  	[sflag:s26] =	ssyncset.done $0x0  }
0x40: {  	[sflag:s26] =	ssyncadd.s32 $0xFFFFE000  }
0x41: {  	_ =	swait.ge [sflag:s26], $0x2000  }
0x42: {  	[sflag:s26] =	ssyncset.done $0x0  }
0x43: {  	[sflag:s26] =	ssyncadd.s32 $0xFFFFE000  }
0x44: {  	[hbm4b:s4+s2] =	stream.linear.scatter [tilespmem:s18], [sflag:$0x3], $0x2000, $0x38;
	[tilespmem:$0x1A400] =	vst v63  }
0x45: {  	s11 =	rddreg [dreg:$0xe]  }
0x46: {  	[hbm4b:s11+s2] =	stream.linear.scatter [tilespmem:s19], [sflag:$0x3], $0x2000, $0x38;
	[tilespmem:$0x1A400] =	vst v63  }
0x47: {  	s6 =	rddreg [dreg:$0xf]  }
0x48: {  	[hbm4b:s6+s2] =	stream.linear.scatter [tilespmem:s21], [sflag:$0x3], $0x2000, $0x38;
	[tilespmem:$0x1A400] =	vst v63  }
0x49: {  	s7 =	rddreg [dreg:$0x10]  }
0x4a: {  	[hbm4b:s7+s2] =	stream.linear.scatter [tilespmem:s23], [sflag:$0x3], $0x2000, $0x38;
	[tilespmem:$0x1A400] =	vst v63  }
0x4b: {  	s8 =	rddreg [dreg:$0x11]  }
0x4c: {  	[hbm4b:s8+s2] =	stream.linear.scatter [tilespmem:s25], [sflag:$0x3], $0x2000, $0x38;
	[tilespmem:$0x1A400] =	vst v63  }
0x4d: {  	_ =	swait.ge [sflag:s29], $0x2000  }
0x4e: {  	[sflag:s29] =	ssyncset.done $0x0  }
0x4f: {  	[sflag:s29] =	ssyncadd.s32 $0xFFFFE000  }
0x50: {  	_ =	swait.ge [sflag:s29], $0x2000  }
0x51: {  	[sflag:s29] =	ssyncset.done $0x0  }
0x52: {  	[sflag:s29] =	ssyncadd.s32 $0xFFFFE000  }
0x53: {  	_ =	swait.ge [sflag:s29], $0x2000  }
0x54: {  	[sflag:s29] =	ssyncset.done $0x0  }
0x55: {  	[sflag:s29] =	ssyncadd.s32 $0xFFFFE000  }
0x56: {  	_ =	swait.ge [sflag:s29], $0x2000  }
0x57: {  	[sflag:s29] =	ssyncset.done $0x0  }
0x58: {  	[sflag:s29] =	ssyncadd.s32 $0xFFFFE000  }
0x59: {  	_ =	swait.ge [sflag:s29], $0x2000  }
0x5a: {  	[sflag:s29] =	ssyncset.done $0x0  }
0x5b: {  	s9 =	rddreg [dreg:$0x12];
	[sflag:s29] =	ssyncadd.s32 $0xFFFFE000  }
0x5c: {  	[hbm4b:s9+s2] =	stream.linear.scatter [tilespmem:s28], [sflag:$0x4], $0x2000, $0x38;
	[tilespmem:$0x1A400] =	vst v63  }
0x5d: {  	s10 =	rddreg [dreg:$0x13]  }
0x5e: {  	[hbm4b:s10+s2] =	stream.linear.scatter [tilespmem:s30], [sflag:$0x4], $0x2000, $0x38;
	[tilespmem:$0x1A400] =	vst v63  }
0x5f: {  	_ = 	snop  }
0x60: {  	[hbm4b:s12+s2] =	stream.linear.scatter [tilespmem:s1], [sflag:$0x4], $0x2000, $0x38;
	[tilespmem:$0x1A400] =	vst v63  }
0x61: {  	_ = 	snop  }
0x62: {  	[hbm4b:s13+s2] =	stream.linear.scatter [tilespmem:s20], [sflag:$0x4], $0x2000, $0x38;
	[tilespmem:$0x1A400] =	vst v63  }
0x63: {  	_ = 	snop  }
0x64: {  	[hbm4b:s14+s2] =	stream.linear.scatter [tilespmem:s24], [sflag:$0x4], $0x2000, $0x38;
	[tilespmem:$0x1A400] =	vst v63  }
0x65: {  	_ =	swait.ge [sflag:s31], $0x2000  }
0x66: {  	[sflag:s31] =	ssyncset.done $0x0  }
0x67: {  	[sflag:s31] =	ssyncadd.s32 $0xFFFFE000  }
0x68: {  	_ =	swait.ge [sflag:s31], $0x2000  }
0x69: {  	[sflag:s31] =	ssyncset.done $0x0  }
0x6a: {  	[sflag:s31] =	ssyncadd.s32 $0xFFFFE000  }
0x6b: {  	_ =	swait.ge [sflag:s31], $0x2000  }
0x6c: {  	[sflag:s31] =	ssyncset.done $0x0  }
0x6d: {  	[sflag:s31] =	ssyncadd.s32 $0xFFFFE000  }
0x6e: {  	_ =	swait.ge [sflag:s31], $0x2000  }
0x6f: {  	[sflag:s31] =	ssyncset.done $0x0  }
0x70: {  	[sflag:s31] =	ssyncadd.s32 $0xFFFFE000  }
0x71: {  	_ =	swait.ge [sflag:s31], $0x2000  }
0x72: {  	[sflag:s31] =	ssyncset.done $0x0  }
0x73: {  	s11 =	simm.s32 $0x500;
	[sflag:s31] =	ssyncadd.s32 $0xFFFFE000  }
0x74: {  	[tilespmem:s18], [sflag:$0x1] =	stream.indirect.gather [hbm4b:s3+s17], $0x40, s11, s17, $0xb8;
	[tilespmem:$0x1A400] =	vst v63  }
0x75: {  	s6 =	simm.s32 $0x580  }
0x76: {  	[tilespmem:s19], [sflag:$0x1] =	stream.indirect.gather [hbm4b:s3+s17], $0x40, s6, s17, $0xb8;
	[tilespmem:$0x1A400] =	vst v63  }
0x77: {  	s7 =	simm.s32 $0x600  }
0x78: {  	[tilespmem:s21], [sflag:$0x1] =	stream.indirect.gather [hbm4b:s3+s17], $0x40, s7, s17, $0xb8;
	[tilespmem:$0x1A400] =	vst v63  }
0x79: {  	s8 =	simm.s32 $0x680  }
0x7a: {  	[tilespmem:s23], [sflag:$0x1] =	stream.indirect.gather [hbm4b:s3+s17], $0x40, s8, s17, $0xb8;
	[tilespmem:$0x1A400] =	vst v63  }
0x7b: {  	s9 =	simm.s32 $0x700  }
0x7c: {  	[tilespmem:s25], [sflag:$0x1] =	stream.indirect.gather [hbm4b:s3+s17], $0x40, s9, s17, $0xb8;
	[tilespmem:$0x1A400] =	vst v63  }
0x7d: {  	_ =	swait.ge [sflag:s0], $0x2000  }
0x7e: {  	[sflag:s0] =	ssyncset.done $0x0  }
0x7f: {  	[sflag:s0] =	ssyncadd.s32 $0xFFFFE000  }
0x80: {  	_ =	swait.ge [sflag:s0], $0x2000  }
0x81: {  	[sflag:s0] =	ssyncset.done $0x0  }
0x82: {  	[sflag:s0] =	ssyncadd.s32 $0xFFFFE000  }
0x83: {  	_ =	swait.ge [sflag:s0], $0x2000  }
0x84: {  	[sflag:s0] =	ssyncset.done $0x0  }
0x85: {  	[sflag:s0] =	ssyncadd.s32 $0xFFFFE000  }
0x86: {  	_ =	swait.ge [sflag:s0], $0x2000  }
0x87: {  	[sflag:s0] =	ssyncset.done $0x0  }
0x88: {  	[sflag:s0] =	ssyncadd.s32 $0xFFFFE000  }
0x89: {  	_ =	swait.ge [sflag:s0], $0x2000  }
0x8a: {  	[sflag:s0] =	ssyncset.done $0x0  }
0x8b: {  	s10 =	simm.s32 $0x780;
	[sflag:s0] =	ssyncadd.s32 $0xFFFFE000  }
0x8c: {  	[tilespmem:s28], [sflag:$0x2] =	stream.indirect.gather [hbm4b:s3+s17], $0x40, s10, s17, $0xb8;
	[tilespmem:$0x1A400] =	vst v63  }
0x8d: {  	s11 =	simm.s32 $0x800  }
0x8e: {  	[tilespmem:s30], [sflag:$0x2] =	stream.indirect.gather [hbm4b:s3+s17], $0x40, s11, s17, $0xb8;
	[tilespmem:$0x1A400] =	vst v63  }
0x8f: {  	s6 =	simm.s32 $0x880  }
0x90: {  	[tilespmem:s1], [sflag:$0x2] =	stream.indirect.gather [hbm4b:s3+s17], $0x40, s6, s17, $0xb8;
	[tilespmem:$0x1A400] =	vst v63  }
0x91: {  	s7 =	simm.s32 $0x900  }
0x92: {  	[tilespmem:s20], [sflag:$0x2] =	stream.indirect.gather [hbm4b:s3+s17], $0x40, s7, s17, $0xb8;
	[tilespmem:$0x1A400] =	vst v63  }
0x93: {  	s8 =	simm.s32 $0x980  }
0x94: {  	[tilespmem:s24], [sflag:$0x2] =	stream.indirect.gather [hbm4b:s3+s17], $0x40, s8, s17, $0xb8;
	[tilespmem:$0x1A400] =	vst v63  }
0x95: {  	_ =	swait.ge [sflag:s26], $0x2000  }
0x96: {  	[sflag:s26] =	ssyncset.done $0x0  }
0x97: {  	[sflag:s26] =	ssyncadd.s32 $0xFFFFE000  }
0x98: {  	_ =	swait.ge [sflag:s26], $0x2000  }
0x99: {  	[sflag:s26] =	ssyncset.done $0x0  }
0x9a: {  	[sflag:s26] =	ssyncadd.s32 $0xFFFFE000  }
0x9b: {  	_ =	swait.ge [sflag:s26], $0x2000  }
0x9c: {  	[sflag:s26] =	ssyncset.done $0x0  }
0x9d: {  	[sflag:s26] =	ssyncadd.s32 $0xFFFFE000  }
0x9e: {  	_ =	swait.ge [sflag:s26], $0x2000  }
0x9f: {  	[sflag:s26] =	ssyncset.done $0x0  }
0xa0: {  	[sflag:s26] =	ssyncadd.s32 $0xFFFFE000  }
0xa1: {  	_ =	swait.ge [sflag:s26], $0x2000  }
0xa2: {  	s9 =	rddreg [dreg:$0x3];
	[sflag:s26] =	ssyncset.done $0x0  }
0xa3: {  	s6 =	rddreg [dreg:$0x7];
	[sflag:s26] =	ssyncadd.s32 $0xFFFFE000;
	s5 =	sadd.s32 $0x0, s9  }
0xa4: {  	[hbm4b:s5+s2] =	stream.linear.scatter [tilespmem:s18], [sflag:$0x3], $0x2000, $0x38;
	[tilespmem:$0x1A400] =	vst v63  }
0xa5: {  	s7 =	rddreg [dreg:$0x6];
	s10 =	sadd.s32 $0x0, s6  }
0xa6: {  	[hbm4b:s10+s2] =	stream.linear.scatter [tilespmem:s19], [sflag:$0x3], $0x2000, $0x38;
	[tilespmem:$0x1A400] =	vst v63  }
0xa7: {  	s11 =	rddreg [dreg:$0x5];
	s8 =	sadd.s32 $0x0, s7  }
0xa8: {  	[hbm4b:s8+s2] =	stream.linear.scatter [tilespmem:s21], [sflag:$0x3], $0x2000, $0x38;
	[tilespmem:$0x1A400] =	vst v63  }
0xa9: {  	s9 =	rddreg [dreg:$0x4];
	s10 =	sadd.s32 $0x0, s11  }
0xaa: {  	[hbm4b:s10+s2] =	stream.linear.scatter [tilespmem:s23], [sflag:$0x3], $0x2000, $0x38;
	[tilespmem:$0x1A400] =	vst v63  }
0xab: {  	s11 =	sadd.s32 $0x0, s9  }
0xac: {  	[hbm4b:s11+s2] =	stream.linear.scatter [tilespmem:s25], [sflag:$0x3], $0x2000, $0x38;
	[tilespmem:$0x1A400] =	vst v63  }
0xad: {  	_ =	swait.ge [sflag:s29], $0x2000  }
0xae: {  	[sflag:s29] =	ssyncset.done $0x0  }
0xaf: {  	[sflag:s29] =	ssyncadd.s32 $0xFFFFE000  }
0xb0: {  	_ =	swait.ge [sflag:s29], $0x2000  }
0xb1: {  	[sflag:s29] =	ssyncset.done $0x0  }
0xb2: {  	[sflag:s29] =	ssyncadd.s32 $0xFFFFE000  }
0xb3: {  	_ =	swait.ge [sflag:s29], $0x2000  }
0xb4: {  	[sflag:s29] =	ssyncset.done $0x0  }
0xb5: {  	[sflag:s29] =	ssyncadd.s32 $0xFFFFE000  }
0xb6: {  	_ =	swait.ge [sflag:s29], $0x2000  }
0xb7: {  	[sflag:s29] =	ssyncset.done $0x0  }
0xb8: {  	[sflag:s29] =	ssyncadd.s32 $0xFFFFE000  }
0xb9: {  	_ =	swait.ge [sflag:s29], $0x2000  }
0xba: {  	s6 =	rddreg [dreg:$0x8];
	[sflag:s29] =	ssyncset.done $0x0  }
0xbb: {  	s7 =	rddreg [dreg:$0xc];
	[sflag:s29] =	ssyncadd.s32 $0xFFFFE000;
	s5 =	sadd.s32 $0x0, s6  }
0xbc: {  	[hbm4b:s5+s2] =	stream.linear.scatter [tilespmem:s28], [sflag:$0x4], $0x2000, $0x38;
	[tilespmem:$0x1A400] =	vst v63  }
0xbd: {  	s8 =	rddreg [dreg:$0xb];
	s6 =	sadd.s32 $0x0, s7  }
0xbe: {  	[hbm4b:s6+s2] =	stream.linear.scatter [tilespmem:s30], [sflag:$0x4], $0x2000, $0x38;
	[tilespmem:$0x1A400] =	vst v63  }
0xbf: {  	s9 =	rddreg [dreg:$0xa];
	s10 =	sadd.s32 $0x0, s8  }
0xc0: {  	[hbm4b:s10+s2] =	stream.linear.scatter [tilespmem:s1], [sflag:$0x4], $0x2000, $0x38;
	[tilespmem:$0x1A400] =	vst v63  }
0xc1: {  	s11 =	rddreg [dreg:$0x9];
	s5 =	sadd.s32 $0x0, s9  }
0xc2: {  	[hbm4b:s5+s2] =	stream.linear.scatter [tilespmem:s20], [sflag:$0x4], $0x2000, $0x38;
	[tilespmem:$0x1A400] =	vst v63  }
0xc3: {  	s7 =	sadd.s32 $0x0, s11;
	s6 =	simm.s32 $0xA00;
	s5 =	simm.s32 $0x2800  }
.LBB2_2:
0xc4: {  	[hbm4b:s7+s2] =	stream.linear.scatter [tilespmem:s24], [sflag:$0x4], $0x2000, $0x38;
	[tilespmem:$0x1A400] =	vst v63  }
0xc5: {  	_ =	swait.ge [sflag:s31], $0x2000  }
0xc6: {  	[sflag:s31] =	ssyncset.done $0x0  }
0xc7: {  	[sflag:s31] =	ssyncadd.s32 $0xFFFFE000  }
0xc8: {  	_ =	swait.ge [sflag:s31], $0x2000  }
0xc9: {  	[sflag:s31] =	ssyncset.done $0x0  }
0xca: {  	[sflag:s31] =	ssyncadd.s32 $0xFFFFE000  }
0xcb: {  	_ =	swait.ge [sflag:s31], $0x2000  }
0xcc: {  	[sflag:s31] =	ssyncset.done $0x0  }
0xcd: {  	[sflag:s31] =	ssyncadd.s32 $0xFFFFE000  }
0xce: {  	_ =	swait.ge [sflag:s31], $0x2000  }
0xcf: {  	[sflag:s31] =	ssyncset.done $0x0  }
0xd0: {  	[sflag:s31] =	ssyncadd.s32 $0xFFFFE000  }
0xd1: {  	_ =	swait.ge [sflag:s31], $0x2000  }
0xd2: {  	[sflag:s31] =	ssyncset.done $0x0  }
0xd3: {  	[sflag:s31] =	ssyncadd.s32 $0xFFFFE000  }
0xd4: {  	[tilespmem:s18], [sflag:$0x1] =	stream.indirect.gather [hbm4b:s3+s17], $0x40, s6, s17, $0xb8;
	[tilespmem:$0x1A400] =	vst v63  }
0xd5: {  	s8 =	sadd.s32 $0x80, s6  }
0xd6: {  	[tilespmem:s19], [sflag:$0x1] =	stream.indirect.gather [hbm4b:s3+s17], $0x40, s8, s17, $0xb8;
	[tilespmem:$0x1A400] =	vst v63  }
0xd7: {  	s11 =	sadd.s32 $0x100, s6  }
0xd8: {  	[tilespmem:s21], [sflag:$0x1] =	stream.indirect.gather [hbm4b:s3+s17], $0x40, s11, s17, $0xb8;
	[tilespmem:$0x1A400] =	vst v63  }
0xd9: {  	s9 =	sadd.s32 $0x180, s6  }
0xda: {  	[tilespmem:s23], [sflag:$0x1] =	stream.indirect.gather [hbm4b:s3+s17], $0x40, s9, s17, $0xb8;
	[tilespmem:$0x1A400] =	vst v63  }
0xdb: {  	s10 =	sadd.s32 $0x200, s6  }
0xdc: {  	[tilespmem:s25], [sflag:$0x1] =	stream.indirect.gather [hbm4b:s3+s17], $0x40, s10, s17, $0xb8;
	[tilespmem:$0x1A400] =	vst v63  }
0xdd: {  	_ =	swait.ge [sflag:s0], $0x2000  }
0xde: {  	[sflag:s0] =	ssyncset.done $0x0  }
0xdf: {  	[sflag:s0] =	ssyncadd.s32 $0xFFFFE000  }
0xe0: {  	_ =	swait.ge [sflag:s0], $0x2000  }
0xe1: {  	[sflag:s0] =	ssyncset.done $0x0  }
0xe2: {  	[sflag:s0] =	ssyncadd.s32 $0xFFFFE000  }
0xe3: {  	_ =	swait.ge [sflag:s0], $0x2000  }
0xe4: {  	[sflag:s0] =	ssyncset.done $0x0  }
0xe5: {  	[sflag:s0] =	ssyncadd.s32 $0xFFFFE000  }
0xe6: {  	_ =	swait.ge [sflag:s0], $0x2000  }
0xe7: {  	[sflag:s0] =	ssyncset.done $0x0  }
0xe8: {  	[sflag:s0] =	ssyncadd.s32 $0xFFFFE000  }
0xe9: {  	_ =	swait.ge [sflag:s0], $0x2000  }
0xea: {  	[sflag:s0] =	ssyncset.done $0x0  }
0xeb: {  	s11 =	sadd.s32 $0x280, s6;
	[sflag:s0] =	ssyncadd.s32 $0xFFFFE000  }
0xec: {  	[tilespmem:s28], [sflag:$0x2] =	stream.indirect.gather [hbm4b:s3+s17], $0x40, s11, s17, $0xb8;
	[tilespmem:$0x1A400] =	vst v63  }
0xed: {  	s9 =	sadd.s32 $0x300, s6  }
0xee: {  	[tilespmem:s30], [sflag:$0x2] =	stream.indirect.gather [hbm4b:s3+s17], $0x40, s9, s17, $0xb8;
	[tilespmem:$0x1A400] =	vst v63  }
0xef: {  	s10 =	sadd.s32 $0x380, s6  }
0xf0: {  	[tilespmem:s1], [sflag:$0x2] =	stream.indirect.gather [hbm4b:s3+s17], $0x40, s10, s17, $0xb8;
	[tilespmem:$0x1A400] =	vst v63  }
0xf1: {  	s11 =	sadd.s32 $0x400, s6  }
0xf2: {  	[tilespmem:s20], [sflag:$0x2] =	stream.indirect.gather [hbm4b:s3+s17], $0x40, s11, s17, $0xb8;
	[tilespmem:$0x1A400] =	vst v63  }
0xf3: {  	s9 =	sadd.s32 $0x480, s6  }
0xf4: {  	[tilespmem:s24], [sflag:$0x2] =	stream.indirect.gather [hbm4b:s3+s17], $0x40, s9, s17, $0xb8;
	[tilespmem:$0x1A400] =	vst v63  }
0xf5: {  	_ =	swait.ge [sflag:s26], $0x2000  }
0xf6: {  	[sflag:s26] =	ssyncset.done $0x0  }
0xf7: {  	[sflag:s26] =	ssyncadd.s32 $0xFFFFE000  }
0xf8: {  	_ =	swait.ge [sflag:s26], $0x2000  }
0xf9: {  	[sflag:s26] =	ssyncset.done $0x0  }
0xfa: {  	[sflag:s26] =	ssyncadd.s32 $0xFFFFE000  }
0xfb: {  	_ =	swait.ge [sflag:s26], $0x2000  }
0xfc: {  	[sflag:s26] =	ssyncset.done $0x0  }
0xfd: {  	[sflag:s26] =	ssyncadd.s32 $0xFFFFE000  }
0xfe: {  	_ =	swait.ge [sflag:s26], $0x2000  }
0xff: {  	[sflag:s26] =	ssyncset.done $0x0  }
0x100: {  	[sflag:s26] =	ssyncadd.s32 $0xFFFFE000  }
0x101: {  	_ =	swait.ge [sflag:s26], $0x2000  }
0x102: {  	s7 =	smov.u32 s5;
	s10 =	rddreg [dreg:$0x3];
	[sflag:s26] =	ssyncset.done $0x0  }
0x103: {  	s9 =	rddreg [dreg:$0x7];
	[sflag:s26] =	ssyncadd.s32 $0xFFFFE000;
	s8 =	sadd.s32 s7, s10  }
0x104: {  	[hbm4b:s8+s2] =	stream.linear.scatter [tilespmem:s18], [sflag:$0x3], $0x2000, $0x38;
	[tilespmem:$0x1A400] =	vst v63  }
0x105: {  	s10 =	rddreg [dreg:$0x6];
	s11 =	sadd.s32 s7, s9  }
0x106: {  	[hbm4b:s11+s2] =	stream.linear.scatter [tilespmem:s19], [sflag:$0x3], $0x2000, $0x38;
	[tilespmem:$0x1A400] =	vst v63  }
0x107: {  	s9 =	rddreg [dreg:$0x5];
	s10 =	sadd.s32 s7, s10  }
0x108: {  	[hbm4b:s10+s2] =	stream.linear.scatter [tilespmem:s21], [sflag:$0x3], $0x2000, $0x38;
	[tilespmem:$0x1A400] =	vst v63  }
0x109: {  	s9 =	sadd.s32 s7, s9;
	s11 =	rddreg [dreg:$0x4]  }
0x10a: {  	[hbm4b:s9+s2] =	stream.linear.scatter [tilespmem:s23], [sflag:$0x3], $0x2000, $0x38;
	[tilespmem:$0x1A400] =	vst v63  }
0x10b: {  	s10 =	sadd.s32 s7, s11  }
0x10c: {  	[hbm4b:s10+s2] =	stream.linear.scatter [tilespmem:s25], [sflag:$0x3], $0x2000, $0x38;
	[tilespmem:$0x1A400] =	vst v63  }
0x10d: {  	_ =	swait.ge [sflag:s29], $0x2000  }
0x10e: {  	[sflag:s29] =	ssyncset.done $0x0  }
0x10f: {  	[sflag:s29] =	ssyncadd.s32 $0xFFFFE000  }
0x110: {  	_ =	swait.ge [sflag:s29], $0x2000  }
0x111: {  	[sflag:s29] =	ssyncset.done $0x0  }
0x112: {  	[sflag:s29] =	ssyncadd.s32 $0xFFFFE000  }
0x113: {  	_ =	swait.ge [sflag:s29], $0x2000  }
0x114: {  	[sflag:s29] =	ssyncset.done $0x0  }
0x115: {  	[sflag:s29] =	ssyncadd.s32 $0xFFFFE000  }
0x116: {  	_ =	swait.ge [sflag:s29], $0x2000  }
0x117: {  	[sflag:s29] =	ssyncset.done $0x0  }
0x118: {  	[sflag:s29] =	ssyncadd.s32 $0xFFFFE000  }
0x119: {  	_ =	swait.ge [sflag:s29], $0x2000  }
0x11a: {  	s11 =	rddreg [dreg:$0x8];
	[sflag:s29] =	ssyncset.done $0x0  }
0x11b: {  	s9 =	rddreg [dreg:$0xc];
	[sflag:s29] =	ssyncadd.s32 $0xFFFFE000;
	s8 =	sadd.s32 s7, s11  }
0x11c: {  	[hbm4b:s8+s2] =	stream.linear.scatter [tilespmem:s28], [sflag:$0x4], $0x2000, $0x38;
	[tilespmem:$0x1A400] =	vst v63  }
0x11d: {  	p0 =	sne.s32 s5, $0x2D000;
	s10 =	rddreg [dreg:$0xb];
	s8 =	sadd.s32 s7, s9  }
0x11e: {  	[hbm4b:s8+s2] =	stream.linear.scatter [tilespmem:s30], [sflag:$0x4], $0x2000, $0x38;
	[tilespmem:$0x1A400] =	vst v63  }
.Ltmp0:
0x11f: {  	s11 =	rddreg [dreg:$0xa];
	(pc) =	sbr.rel @p0 .LBB2_2-.Ltmp0, $4  }
0x120: {  	s5 =	sadd.s32 $0x2800, s5;
	s10 =	sadd.s32 s7, s10;
	s9 =	rddreg [dreg:$0x9]  }
0x121: {  	[hbm4b:s10+s2] =	stream.linear.scatter [tilespmem:s1], [sflag:$0x4], $0x2000, $0x38;
	[tilespmem:$0x1A400] =	vst v63  }
0x122: {  	s6 =	sadd.s32 $0x500, s6;
	s11 =	sadd.s32 s7, s11;
	s7 =	sadd.s32 s7, s9  }
0x123: {  	[hbm4b:s11+s2] =	stream.linear.scatter [tilespmem:s20], [sflag:$0x4], $0x2000, $0x38;
	[tilespmem:$0x1A400] =	vst v63  }
0x124: {  	[hbm4b:s7+s2] =	stream.linear.scatter [tilespmem:s24], [sflag:$0x4], $0x2000, $0x38;
	[tilespmem:$0x1A400] =	vst v63  }
0x125: {  	_ =	swait.ge [sflag:s31], $0x2000  }
0x126: {  	[sflag:s31] =	ssyncset.done $0x0  }
0x127: {  	[sflag:s31] =	ssyncadd.s32 $0xFFFFE000  }
0x128: {  	_ =	swait.ge [sflag:s31], $0x2000  }
0x129: {  	[sflag:s31] =	ssyncset.done $0x0  }
0x12a: {  	[sflag:s31] =	ssyncadd.s32 $0xFFFFE000  }
0x12b: {  	_ =	swait.ge [sflag:s31], $0x2000  }
0x12c: {  	[sflag:s31] =	ssyncset.done $0x0  }
0x12d: {  	[sflag:s31] =	ssyncadd.s32 $0xFFFFE000  }
0x12e: {  	_ =	swait.ge [sflag:s31], $0x2000  }
0x12f: {  	[sflag:s31] =	ssyncset.done $0x0  }
0x130: {  	[sflag:s31] =	ssyncadd.s32 $0xFFFFE000  }
0x131: {  	_ =	swait.ge [sflag:s31], $0x2000  }
0x132: {  	[sflag:s31] =	ssyncset.done $0x0  }
0x133: {  	[sflag:s31] =	ssyncadd.s32 $0xFFFFE000  }
0x134: {  	_ =	swait.ge [sflag:s0], $0x2000  }
0x135: {  	[sflag:s0] =	ssyncset.done $0x0  }
0x136: {  	[sflag:s0] =	ssyncadd.s32 $0xFFFFE000  }
0x137: {  	_ =	swait.ge [sflag:s0], $0x2000  }
0x138: {  	[sflag:s0] =	ssyncset.done $0x0  }
0x139: {  	[sflag:s0] =	ssyncadd.s32 $0xFFFFE000  }
0x13a: {  	_ =	swait.ge [sflag:s0], $0x2000  }
0x13b: {  	[sflag:s0] =	ssyncset.done $0x0  }
0x13c: {  	s22 =	sadd.s32 $0x1, s22;
	[sflag:s0] =	ssyncadd.s32 $0xFFFFE000  }
0x13d: {  	p0 =	sne.s32 s22, s15;
	_ =	swait.ge [sflag:s0], $0x2000  }
.Ltmp1:
0x13e: {  	[sflag:s0] =	ssyncset.done $0x0;
	(pc) =	sbr.rel @p0 .LBB2_1-.Ltmp1, $4  }
0x13f: {  	[sflag:s0] =	ssyncadd.s32 $0xFFFFE000  }
0x140: {  	_ =	swait.ge [sflag:s0], $0x2000  }
0x141: {  	[sflag:s0] =	ssyncset.done $0x0  }
0x142: {  	[sflag:s0] =	ssyncadd.s32 $0xFFFFE000  }
0x143: {  	_ =	sfence.sel $0x180000  }
0x144: {  	[bflag:$0x0] =	sbarrier.arrive $0xFFFF  }
0x145: {  	_ =	strace $0x90000047  }
0x146: {  	s0 =	stileid.u32;
	[bflag:$0x2] =	sbarrier.arrive $0xFFFF  }
0x147: {  	p0 =	sne.s32 s0, $0x0;
	s0 =	rddreg [dreg:$0x2]  }
0x148: {  	s0 =	sadd.s32 @!p0 $0x100000, s0  }
0x149: {  	[sflag:s0] =	ssyncadd.tile.s32 @!p0 $0x1;
	_ =	shalt  }
.Lfunc_end2:
_tile_overlayer_lowered:
.L_overlay_start_2:
0x14a: {  	(tag) =	ssettag $0x2  }
0x14b: {  	s0 =	rddreg [dreg:$0x0];
	s2 =	stileid.u32  }
0x14c: {  	s1 =	rddreg [dreg:$0x1];
	p0 =	sne.s32 s2, $0x0  }
0x14d: {  	s3 =	rddreg [dreg:$0x2];
	[bflag:$0x3] =	sbarrier.arrive $0xFFFF;
	s2 =	simm.s32 @!p0 $0x1C05  }
0x14e: {  	[timem:s3], [sflag:s2] =	dma.local @!p0 [hbm:s0], s1  }
0x14f: {  	s0 =	simm.s32 @!p0 $0x5  }
0x150: {  	_ =	swait.ge @!p0 [sflag:s0], s1  }
0x151: {  	s1 =	ssub.s32 @!p0 $0x0, s1;
	[sflag:s0] =	ssyncset.done @!p0 $0x0  }
0x152: {  	[sflag:s0] =	ssyncadd.s32 @!p0 s1  }
0x153: {  	[bflag:$0x3] =	sbarrier.arrive $0xFFFF  }
0x154: {  	_ =	shalt  }

// kernel: sparse-core-data-format-call.cloned.1.call-start
scs
called_computation_lowered:
.L_overlay_start_0:
0x0: {  	s2 =	sld [smem:$0x3FD9]  }
0x1: {  	s3 =	sld [smem:$0x3FFE];
	_ =	sdelay $0x1  }
0x2: {  	s1 =	srdreg.scid  }
0x3: {  	s0 =	sand.u32 $0x1, s1  }
0x4: {  	s18 =	sshll.u32 s0, $0xA;
	s2 =	sadd.s32 s3, s2  }
0x5: {  	s2 =	sadd.s32 s2, s18  }
0x6: {  	[smem:$0x3FC6] =	sst s2  }
0x7: {  	_ = 	snop  }
0x8: {  	s2 =	sld [smem:$0x3FD0];
	(tm) =	ssettm $0x1  }
0x9: {  	s19 =	sld [smem:$0x3FFB];
	_ =	sdelay $0x3  }
0xa: {  	_ =	strace s19  }
0xb: {  	s3 =	sld [smem:$0x3FFC];
	_ =	sdelay $0x3  }
0xc: {  	_ =	strace s3  }
0xd: {  	s3 =	sld [smem:$0x3FFD];
	_ =	sdelay $0x3  }
0xe: {  	_ =	strace s3  }
0xf: {  	_ =	strace $0x8FFFFFFF  }
0x10: {  	s20 =	sld [smem:$0x3FDB];
	_ =	sdelay $0x1  }
0x11: {  	s4 =	simm.s32 $_scs_section_size  }
0x12: {  	s5 =	simm.s32 $_size__tile_overlayer_lowered;
	s6 =	simm.s32 $_tile_overlayer_lowered  }
0x13: {  	s23 =	simm.s32 $0x1BFF;
	s22 =	sshll.u32 s6, $0x1;
	s3 =	sadd.s32 s4, s20  }
0x14: {  	s7 =	simm.s32 $0x0;
	s21 =	sshll.u32 s5, $0x1;
	s5 =	sadd.s32 s22, s3  }
0x15: {  	[timem:s7], [sflag:s23] =	dma.local [hbm:s5], s21  }
0x16: {  	_ =	swait.ge [sflag:s23], s21  }
0x17: {  	s4 =	ssub.s32 $0x0, s21;
	[sflag:s23] =	ssyncset.done $0x0  }
0x18: {  	[sflag:s23] =	ssyncadd.s32 s4;
	_ =	sdelay $0x1  }
0x19: {  	s24 =	simm.s32 $0x1B8B  }
0x1a: {  	_ =	swait.ge [sflag:s24], $0x1  }
0x1b: {  	[sflag:s24] =	ssyncset.done $0x0  }
0x1c: {  	s26 =	simm.s32 $0x1B8E;
	s25 =	sld [smem:$0x3FFE];
	[sflag:s24] =	ssyncadd.s32 $0xFFFFFFFF  }
0x1d: {  	s27 =	simm.s32 $execute0_lowered;
	[smem:$0x3FD2] =	sst s26  }
0x1e: {  	s5 =	sshll.u32 s27, $0x1;
	_ =	strace $0x80000049;
	[dreg:$0x1] =	wrdreg $0xFFFFFFFF  }
0x1f: {  	s28 =	simm.s32 $_size_execute0_lowered;
	s3 =	sadd.s32 s3, s5;
	[dreg:$0x0] =	wrdreg $0x0  }
0x20: {  	s5 =	sshll.u32 s28, $0x1;
	[dreg:$0x2] =	wrdreg s3  }
0x21: {  	[dreg:$0x3] =	wrdreg s5  }
0x22: {  	[dreg:$0x4] =	wrdreg $0xC0  }
0x23: {  	_ =	task [dreg:s7], $0x5FFFF  }
0x24: {  	[dreg:$0x1] =	wrdreg $0xFFFFFFFF  }
0x25: {  	[dreg:$0x0] =	wrdreg $0x60  }
0x26: {  	[dreg:$0x2] =	wrdreg s25  }
0x27: {  	[dreg:$0x3] =	wrdreg s2  }
0x28: {  	[dreg:$0x4] =	wrdreg $0x9  }
0x29: {  	_ =	task.clear_ibuf [dreg:s7], $0x5FFFF;
	_ =	strace $0x90000049  }
0x2a: {  	s29 =	simm.s32 $0x9;
	_ =	strace $0x8000004B  }
0x2b: {  	_ =	swait.ge [sflag:s29], $0x1  }
0x2c: {  	[sflag:s29] =	ssyncadd.s32 $0xFFFFFFFF  }
0x2d: {  	_ =	strace $0x9000004B  }
0x2e: {  	_ =	sfence  }
0x2f: {  	s30 =	sld [smem:$0x0];
	_ =	sdelay $0x2  }
0x30: {  	s31 =	sshll.u32 s1, $0xD;
	s1 =	sshrl.u32 s1, $0x2  }
0x31: {  	s3 =	sand.u32 $0x4000, s31;
	s1 =	sadd.s32 s1, s30  }
0x32: {  	s0 =	sor.u32 s3, s0;
	s1 =	sshll.u32 s1, $0x11  }
0x33: {  	s0 =	sor.u32 s1, s0  }
0x34: {  	s0 =	sadd.s32 $0x8F2B, s0  }
0x35: {  	[sflag:s0] =	ssyncadd.remote.s32 $0x1  }
0x36: {  	_ =	sfence.sel $0xFFFF  }
0x37: {  	[dreg:$0x0] =	wrdreg $0xFFFFFFFF;
	(pc) =	sbr.abs _section_cstart, $3  }
0x38: {  	[dreg:$0x1] =	wrdreg $0xFFFFFFFF  }
0x39: {  	_ =	task.clear_ibuf [dreg:s7], $0x2FFFF;
	_ =	strace $0x9FFFFFFF  }
0x3a: {  	(tm) =	ssettm $0x7FFFFFFF  }
0x3b: {  	_ =	shalt  }
tec
execute0_lowered:
.L_overlay_start_1:
0x0: {  	(tag) =	ssettag $0x1  }
0x1: {  	s0 =	srdreg.scid  }
0x2: {  	s1 =	sshll.u32 s0, $0x4  }
0x3: {  	s0 =	stileid.u32;
	s1 =	sand.u32 $0x10, s1  }
0x4: {  	s1 =	sor.u32 s0, s1  }
0x5: {  	s6 =	rddreg [dreg:$0x0];
	s4 =	simm.s32 $0x1;
	s2 =	sshll.u32 s1, $0x7  }
0x6: {  	s7 =	simm.s32 $0x2;
	s12 =	simm.s32 $0x0;
	s1 =	ssub.s32 $0x4000, s2  }
0x7: {  	s8 =	simm.s32 $0x20000;
	s13 =	simm.s32 $0x0;
	s3 =	sand.u32 $0xF80, s1  }
0x8: {  	s9 =	simm.s32 $0x0;
	s5 =	sshrl.u32 s1, $0xC;
	p0 =	sne.s32 s3, $0x0  }
.Ltmp0:
0x9: {  	s1 =	rddreg [dreg:$0x2];
	s4 =	simm.s32 @!p0 $0x0;
	(pc) =	sbr.rel .LBB1_1-.Ltmp0, $4  }
0xa: {  	s11 =	simm.s32 $0x0;
	s3 =	rddreg [dreg:$0x1];
	s5 =	sadd.s32 s4, s5  }
0xb: {  	_ =	strace $0x8000004A;
	s4 =	simm.s32 $0x1;
	s5 =	smul.u32 $0x32, s5  }
0xc: {  	s6 =	sadd.s32 $0xA00, s6;
	s10 =	smov.u32 s2;
	[sflag:s4] =	ssyncpa.u1 $0x0  }
0xd: {  	p0 =	por $0x0, $0x0;
	[sflag:s7] =	ssyncpa.u1 $0x0;
	s7 =	sor.u32 $0x1, s5  }
.LBB1_4:
0xe: {  	s16 =	sshll.u32 s13, $0x3;
	s17 =	sand.u32 $0x78, s13  }
0xf: {  	s30 =	sand.u32 $0x1F800, s13;
	s12 =	sshll.u32 s12, $0x11;
	s16 =	sand.u32 $0x3C00, s16  }
0x10: {  	[tilespmem:s15+$0x810 ss:$0x81] =	vst.msk $0xffff, v2;
	s31 =	sand.u32 $0x7, s13;
	s16 =	sor.u32 s17, s16;
	s17 =	sadd.s32 s3, s30  }
0x11: {  	[tilespmem:s15+$0x1020 ss:$0x81] =	vst.msk $0xffff, v0;
	s13 =	sshll.u32 s31, $0x12;
	s12 =	sadd.s32 s12, s17;
	s16 =	sshrl.u32 s16, $0x3  }
0x12: {  	[tilespmem:s15+$0x0 ss:$0x81] =	vst.msk $0xffff, v1;
	s13 =	sor.u32 $0x400, s13;
	s12 =	sadd.s32 s16, s12  }
0x13: {  	[hbm4b:s12+s13] =	stream.strided.scatter [tilespmem:s14], [sflag:$0x2], $0x2000, s8, s13, $0x20;
	[tilespmem:$0x8080] =	vst v63  }
.LBB1_5:
0x14: {  	s14 =	sadd.s32 $0x1, s9  }
0x15: {  	s12 =	sadd.s32 $0x1000, s10;
	s16 =	smov.u32 s10;
	p2 =	sgt.s32 s14, $0x31  }
0x16: {  	s16 =	smov.u32 @p2 s12  }
0x17: {  	s14 =	simm.s32 @p2 $0x0;
	p2 =	sgt.s32 s16, $0x3FFF  }
0x18: {  	s16 =	smov.u32 @p2 s2;
	p2 =	sne.s32 s11, s7  }
.Ltmp1:
0x19: {  	p1 =	slt.u32 s11, $0x2;
	(pc) =	sbr.rel @!p2 .LBB1_6-.Ltmp1, $4  }
0x1a: {  	s15 =	simm.s32 @!p1 $0x2  }
0x1b: {  	s13 =	smov.u32 s10;
	p0 =	por !p0, !p0;
	_ =	swait.ge @!p1 [sflag:s15], $0x2000  }
0x1c: {  	s12 =	smov.u32 s9;
	[sflag:s15] =	ssyncset.done @!p1 $0x0;
	s9 =	smov.u32 s14  }
0x1d: {  	s11 =	sadd.s32 $0x1, s11;
	[sflag:s15] =	ssyncadd.s32 @!p1 $0xFFFFE000;
	s10 =	smov.u32 s16  }
.LBB1_1:
0x1e: {  	p1 =	sge.u32 s11, s5  }
0x1f: {  	s14 =	sand.u32 @!p1 $0x1FFFFFF, s9  }
0x20: {  	s15 =	smulhi.u32 @!p1 $0x4924925, s14;
	_ =	sdelay $0x1  }
0x21: {  	s15 =	smul.u32 @!p1 $0x38, s15  }
0x22: {  	s16 =	sxor.u32 @!p1 $0xFFFFFFFF, s11;
	s17 =	smul.u32 @!p1 $0x380, s10  }
0x23: {  	s31 =	sadd.s32 $0xFFFFFFFF, s11;
	s16 =	sshll.u32 @!p1 s16, $0xD;
	s14 =	ssub.s32 @!p1 s14, s15  }
0x24: {  	s15 =	sand.u32 @!p1 $0x2000, s16;
	s16 =	sadd.s32 @!p1 s6, s17;
	s14 =	sshll.u32 @!p1 s14, $0x4  }
0x25: {  	s17 =	simm.s32 @!p1 $0x1C00;
	s14 =	sadd.s32 @!p1 s14, s16;
	s16 =	simm.s32 @!p1 $0x40  }
0x26: {  	[tilespmem:s15], [sflag:$0x1] =	stream.strided.gather @!p1 [hbm4b:s14+s16], $0x2000, s17, s16, $0x38;
	[tilespmem:$0x8080] =	vst v63  }
0x27: {  	p1 =	sge.u32 s31, s5  }
.Ltmp2:
0x28: {  	_ = 	snop;
	(pc) =	sbr.rel @p1 .LBB1_5-.Ltmp2, $1  }
0x29: {  	_ =	sdelay $0x3  }
0x2a: {  	s14 =	simm.s32 $0x1  }
0x2b: {  	_ =	swait.ge [sflag:s4], $0x2000;
	s14 =	simm.s32 @!p0 $0x0  }
0x2c: {  	[sflag:s4] =	ssyncset.done $0x0;
	s15 =	sshll.u32 s14, $0xD  }
0x2d: {  	[sflag:s4] =	ssyncadd.s32 $0xFFFFE000;
	s18 =	sor.u32 $0x20, s15  }
0x2e: {  	s14 =	smul.u32 $0x8100, s14;
	v3 =	vld [tilespmem:s18+$0x10]  }
0x2f: {  	s30 =	sand.u32 $0x1, s11;
	v2 =	vld [tilespmem:s18+$0xFFFFFFF0]  }
0x30: {  	s15 =	smul.u32 $0x8100, s30;
	s14 =	sshrl.u32 s14, $0x2;
	v0 =	vld [tilespmem:s18+$0x0]  }
0x31: {  	v1 =	vld [tilespmem:s18+$0xFFFFFFE0];
	s16 =	sor.u32 $0x4000, s14  }
0x32: {  	s31 =	sshrl.u32 s15, $0x2;
	s15 =	sadd.s32 $0x0, s16  }
0x33: {  	s17 =	simm.s32 $0x4;
	s18 =	sadd.s32 $0x40, s18;
	s14 =	sor.u32 $0x4000, s31;
	[tilespmem:s15+$0x1830 ss:$0x81] =	vst.msk $0xffff, v3  }
.LBB1_3:
0x34: {  	v3 =	vld [tilespmem:s18+$0x10];
	p1 =	sne.s32 s17, $0x1FC;
	[tilespmem:s15+$0x810 ss:$0x81] =	vst.msk $0xffff, v2;
	s19 =	smov.u32 s17;
	s17 =	sadd.s32 $0x4, s17  }
.Ltmp3:
0x35: {  	v2 =	vld [tilespmem:s18+$0xFFFFFFF0];
	[tilespmem:s15+$0x1020 ss:$0x81] =	vst.msk $0xffff, v0;
	(pc) =	sbr.rel @p1 .LBB1_3-.Ltmp3, $4  }
0x36: {  	v0 =	vld [tilespmem:s18+$0x0];
	[tilespmem:s15+$0x0 ss:$0x81] =	vst.msk $0xffff, v1  }
0x37: {  	s15 =	sshra.s32 s19, $0x2;
	v1 =	vld [tilespmem:s18+$0xFFFFFFE0]  }
0x38: {  	s15 =	sadd.s32 s15, s16  }
0x39: {  	s18 =	sadd.s32 $0x40, s18;
	[tilespmem:s15+$0x1830 ss:$0x81] =	vst.msk $0xffff, v3  }
.Ltmp4:
0x3a: {  	_ = 	snop;
	(pc) =	sbr.rel .LBB1_4-.Ltmp4, $1  }
0x3b: {  	_ =	sdelay $0x3  }
.LBB1_6:
0x3c: {  	_ =	sfence.sel $0x180000  }
0x3d: {  	s2 =	simm.s32 $0x1;
	[bflag:$0x0] =	sbarrier.arrive $0xFFFF  }
0x3e: {  	s31 =	simm.s32 $0x2;
	[sflag:s2] =	ssyncpa.u1 $0x1  }
0x3f: {  	[sflag:s31] =	ssyncpa.u1 $0x1  }
0x40: {  	p0 =	sne.s32 s0, $0x0;
	_ =	strace $0x9000004A  }
0x41: {  	s0 =	sadd.s32 @!p0 $0x100000, s1;
	[bflag:$0x2] =	sbarrier.arrive $0xFFFF  }
0x42: {  	[sflag:s0] =	ssyncadd.tile.s32 @!p0 $0x1;
	_ =	shalt  }
.Lfunc_end1:
_tile_overlayer_lowered:
.L_overlay_start_2:
0x43: {  	(tag) =	ssettag $0x2  }
0x44: {  	s0 =	rddreg [dreg:$0x0];
	s2 =	stileid.u32  }
0x45: {  	s1 =	rddreg [dreg:$0x1];
	p0 =	sne.s32 s2, $0x0  }
0x46: {  	s3 =	rddreg [dreg:$0x2];
	[bflag:$0x3] =	sbarrier.arrive $0xFFFF;
	s2 =	simm.s32 @!p0 $0x1C01  }
0x47: {  	[timem:s3], [sflag:s2] =	dma.local @!p0 [hbm:s0], s1  }
0x48: {  	s0 =	simm.s32 @!p0 $0x1  }
0x49: {  	_ =	swait.ge @!p0 [sflag:s0], s1  }
0x4a: {  	s1 =	ssub.s32 @!p0 $0x0, s1;
	[sflag:s0] =	ssyncset.done @!p0 $0x0  }
0x4b: {  	[sflag:s0] =	ssyncadd.s32 @!p0 s1  }
0x4c: {  	[bflag:$0x3] =	sbarrier.arrive $0xFFFF  }
0x4d: {  	_ =	shalt  }

</sc_bundles>
